<compile_context>
chip_gen: v7x
topology: tpu7x:2x2x1
jax: 0.10.2.dev20260603
libtpu: 0.0.44.dev20260713+nightly
codegen_flags: <defaults>
</compile_context>

<pallas_src>
import functools

import jax
import jax.numpy as jnp
from jax import lax
from jax.experimental import pallas as pl
from jax.experimental.pallas import tpu as pltpu
from jax.experimental.pallas import tpu_sc as plsc

VX = 0.16
VY = 0.16
X_MIN = 0.0
Y_MIN = -39.68
NX = 432
NY = 496
NCH = 64
NYNX = NY * NX
X_OFFSET = VX / 2.0 + X_MIN
Y_OFFSET = VY / 2.0 + Y_MIN
BN_EPS = 1e-3

TP = 600

NSUB = 32
CW = NYNX // NSUB
CWP = ((CW + 127) // 128) * 128
CHB = 4
NCG = NCH // CHB
NYG = NSUB // NCG
YTILES = NY // 8 // NYG


def _pfn_body(vox_ref, npts_ref, cx_ref, cy_ref, wbd_ref, k1_ref, small_ref,
              out_ref):
    vox = vox_ref[0]
    npts = npts_ref[0]
    cx = cx_ref[0]
    cy = cy_ref[0]
    wx = small_ref[0:1, :]
    wy = small_ref[1:2, :]
    beta = small_ref[2:3, :]

    a = jnp.dot(vox, wbd_ref[...], preferred_element_type=jnp.float32)
    msum = jnp.dot(vox, k1_ref[...], preferred_element_type=jnp.float32)
    t = msum / npts.astype(jnp.float32) + cx * wx + cy * wy - beta

    lane = jax.lax.broadcasted_iota(jnp.int32, a.shape, 1) // NCH
    neg = jnp.float32(-jnp.inf)
    am = jnp.where(lane < npts, a, neg)
    m = am
    for half in (1024, 512, 256, 128, 64):
        m = jnp.maximum(m[:, :half], m[:, half:2 * half])
    x = m - t
    inv_term = jnp.where(npts < 32, beta, neg)
    out_ref[0] = jax.nn.relu(jnp.maximum(x, inv_term))


def _pillar_features(voxels, num_points, coordinates, pfn_weight, bn_gamma,
                     bn_beta):
    B, P, N, F = voxels.shape
    NT = P // TP
    G = B * NT

    scale = bn_gamma / jnp.sqrt(1.0 + BN_EPS)
    w = pfn_weight
    wcomb = jnp.stack([w[0] + w[4] + w[7], w[1] + w[5] + w[8],
                       w[2] + w[6], w[3]]) * scale
    wbd = jnp.kron(jnp.eye(N, dtype=w.dtype), wcomb)
    w46s = jnp.concatenate([w[4:7] * scale,
                            jnp.zeros((1, NCH), w.dtype)], axis=0)
    k1 = jnp.tile(w46s, (N, 1))
    small = jnp.concatenate([
        (w[7] * scale)[None], (w[8] * scale)[None], bn_beta[None],
        jnp.zeros((5, NCH), w.dtype)], axis=0)

    vox_r = voxels.reshape(G, TP, N * F)
    npts_r = num_points.reshape(G, TP, 1)
    cxf = coordinates[:, :, 2].astype(jnp.float32) * VX + X_OFFSET
    cyf = coordinates[:, :, 1].astype(jnp.float32) * VY + Y_OFFSET
    cx_r = cxf.reshape(G, TP, 1)
    cy_r = cyf.reshape(G, TP, 1)

    pf = pl.pallas_call(
        _pfn_body,
        grid=(G,),
        in_specs=[
            pl.BlockSpec((1, TP, N * F), lambda i: (i, 0, 0)),
            pl.BlockSpec((1, TP, 1), lambda i: (i, 0, 0)),
            pl.BlockSpec((1, TP, 1), lambda i: (i, 0, 0)),
            pl.BlockSpec((1, TP, 1), lambda i: (i, 0, 0)),
            pl.BlockSpec((N * F, N * NCH), lambda i: (0, 0)),
            pl.BlockSpec((N * F, NCH), lambda i: (0, 0)),
            pl.BlockSpec((8, NCH), lambda i: (0, 0)),
        ],
        out_specs=pl.BlockSpec((1, TP, NCH), lambda i: (i, 0, 0)),
        out_shape=jax.ShapeDtypeStruct((G, TP, NCH), jnp.float32),
    )(vox_r, npts_r, cx_r, cy_r, wbd, k1, small)
    return pf.reshape(B, P, NCH)


def _winner_map(idxm1d, B, P):
    mesh = plsc.VectorSubcoreMesh(core_axis_name="c", subcore_axis_name="s")

    @functools.partial(
        pl.kernel,
        out_type=jax.ShapeDtypeStruct((B * NYNX,), jnp.int32),
        mesh=mesh,
        compiler_params=pltpu.CompilerParams(needs_layout_passes=False),
        scratch_types=[
            pltpu.VMEM((P,), jnp.int32),
            pltpu.VMEM((CWP,), jnp.int32),
        ],
    )
    def k(idxm_hbm, win_hbm, idx_v, win_v):
        wid = lax.axis_index("s") * 2 + lax.axis_index("c")
        c0 = wid * CW
        iota = lax.iota(jnp.int32, 16)
        for b in range(B):
            pltpu.sync_copy(idxm_hbm.at[pl.ds(b * P, P)], idx_v)

            def init(i, carry):
                win_v[pl.ds(i * 16, 16)] = jnp.full((16,), -1, jnp.int32)
                return carry

            lax.fori_loop(0, CWP // 16, init, 0)

            def grp(g, carry):
                idxv = idx_v[pl.ds(g * 16, 16)]
                local = idxv - c0
                pid = g * 16 + iota
                m = (idxv >= c0) & (idxv < c0 + CW)
                safe = jnp.where(m, local, 0)
                plsc.store_scatter(win_v, [safe], pid, mask=m)
                cur = plsc.load_gather(win_v, [safe], mask=m)
                need = m & (cur < pid)
                plsc.store_scatter(win_v, [safe], pid, mask=need)
                cur2 = plsc.load_gather(win_v, [safe], mask=need)
                need2 = need & (cur2 < pid)
                plsc.store_scatter(win_v, [safe], pid, mask=need2)
                return carry

            lax.fori_loop(0, P // 16, grp, 0)
            pltpu.sync_copy(win_v.at[pl.ds(0, CW)],
                            win_hbm.at[pl.ds(b * NYNX + c0, CW)])

    return k(idxm1d)


def _canvas_gather(win1d, pft1d, B, P):
    mesh = plsc.VectorSubcoreMesh(core_axis_name="c", subcore_axis_name="s")
    TW = 8 * NX

    @functools.partial(
        pl.kernel,
        out_type=jax.ShapeDtypeStruct((B, NCH, NY, NX), jnp.float32),
        mesh=mesh,
        compiler_params=pltpu.CompilerParams(needs_layout_passes=False),
        scratch_types=[
            pltpu.VMEM((CHB * P,), jnp.float32),
            pltpu.VMEM((TW,), jnp.int32),
            pltpu.VMEM((CHB, 8, NX), jnp.float32),
        ],
    )
    def k(win_hbm, pft_hbm, out_hbm, tab_v, win_v, out_v):
        wid = lax.axis_index("s") * 2 + lax.axis_index("c")
        chg = wid % NCG
        yg = wid // NCG
        ch0 = chg * CHB
        y0 = yg * (YTILES * 8)
        for b in range(B):
            pltpu.sync_copy(
                pft_hbm.at[pl.ds((b * NCH + ch0) * P, CHB * P)], tab_v)

            def tile_body(j, carry):
                r0 = y0 + j * 8
                pltpu.sync_copy(
                    win_hbm.at[pl.ds(b * NYNX + r0 * NX, TW)], win_v)

                def grp(g, c2):
                    yy = g // (NX // 16)
                    xo = (g % (NX // 16)) * 16
                    w = win_v[pl.ds(g * 16, 16)]
                    msk = w >= 0
                    ws = jnp.where(msk, w, 0)
                    for ch in range(CHB):
                        vals = plsc.load_gather(tab_v, [ws + ch * P])
                        out_v[ch, yy, pl.ds(xo, 16)] = jnp.where(
                            msk, vals, jnp.float32(0.0))
                    return c2

                lax.fori_loop(0, TW // 16, grp, 0)
                pltpu.sync_copy(
                    out_v,
                    out_hbm.at[b, pl.ds(ch0, CHB), pl.ds(r0, 8),
                               pl.ds(0, NX)])
                return carry

            lax.fori_loop(0, YTILES, tile_body, 0)

    return k(win1d, pft1d)


def kernel(voxels, num_points, coordinates, num_nonempty_voxels, pfn_weight,
           bn_gamma, bn_beta):
    B, P, N, F = voxels.shape
    pf = _pillar_features(voxels, num_points, coordinates, pfn_weight,
                          bn_gamma, bn_beta)
    pft1d = pf.transpose(0, 2, 1).reshape(-1)

    pid = jnp.arange(P, dtype=jnp.int32)
    valid = pid[None, :] < num_nonempty_voxels[:, None]
    idx = coordinates[:, :, 1] * NX + coordinates[:, :, 2]
    idxm1d = jnp.where(valid, idx, NYNX).astype(jnp.int32).reshape(-1)

    win1d = _winner_map(idxm1d, B, P)
    return _canvas_gather(win1d, pft1d, B, P)

# --- scband reference (transcript-rebuilt; emitter-appended) ---
"""Pipeline reference for scband-pillar-of-fafe-89704686944765 (READ-ONLY COPY).

The authoritative reference and input builder live on the scoring server;
editing this copy changes nothing except your own understanding.
"""

import jax, jax.numpy as jnp
import numpy as np

VX = 0.16
VY = 0.16
X_MIN = 0.0
Y_MIN = -39.68
NX = 432
NY = 496
NCH = 64
X_OFFSET = VX / 2.0 + X_MIN
Y_OFFSET = VY / 2.0 + Y_MIN
BN_EPS = 1e-3


def setup_inputs(seed=0):
    key = jax.random.key(seed)
    ks = jax.random.split(key, 6)
    B, P, N, F = 4, 12000, 32, 4
    voxels = jax.random.normal(ks[0], (B, P, N, F), dtype=jnp.float32)
    num_points = jax.random.randint(ks[1], (B, P), 1, N + 1, dtype=jnp.int32)
    yc = jax.random.randint(ks[2], (B, P, 1), 0, NY).astype(jnp.int32)
    xc = jax.random.randint(ks[3], (B, P, 1), 0, NX).astype(jnp.int32)
    zc = jnp.zeros((B, P, 1), dtype=jnp.int32)
    coordinates = jnp.concatenate([zc, yc, xc], axis=-1)
    num_nonempty_voxels = jax.random.randint(ks[4], (B,), P // 2, P + 1, dtype=jnp.int32)
    pfn_weight = jax.random.normal(ks[5], (9, NCH), dtype=jnp.float32) * 0.05
    bn_gamma = jnp.ones((NCH,), dtype=jnp.float32)
    bn_beta = jnp.zeros((NCH,), dtype=jnp.float32)
    return {"voxels": voxels, "num_points": num_points, "coordinates": coordinates,
            "num_nonempty_voxels": num_nonempty_voxels, "pfn_weight": pfn_weight,
            "bn_gamma": bn_gamma, "bn_beta": bn_beta}


def _pillar_feature_net(vox, npts, coors, W, gamma, beta):
    # vox: [P, N, 4], npts: [P], coors: [P, 3] as (z, y, x) grid indices
    pts_xyz = vox[:, :, :3]
    nf = npts.astype(jnp.float32).reshape(-1, 1, 1)
    points_mean = jnp.sum(pts_xyz, axis=1, keepdims=True) / nf
    f_cluster = pts_xyz - points_mean
    xc = coors[:, 2].astype(jnp.float32) * VX + X_OFFSET
    yc = coors[:, 1].astype(jnp.float32) * VY + Y_OFFSET
    f_center_x = vox[:, :, 0] - xc[:, None]
    f_center_y = vox[:, :, 1] - yc[:, None]
    f_center = jnp.stack([f_center_x, f_center_y], axis=-1)
    feats = jnp.concatenate([vox, f_cluster, f_center], axis=2)  # [P, N, 9]
    mask = (jnp.arange(vox.shape[1])[None, :] < npts[:, None]).astype(feats.dtype)
    feats = feats * mask[:, :, None]
    x = jnp.einsum('pnf,fc->pnc', feats, W)  # linear (no bias, use_norm)
    x = (x - 0.0) / jnp.sqrt(1.0 + BN_EPS) * gamma + beta  # BatchNorm1d eval, running stats (0, 1)
    x = jax.nn.relu(x)
    return jnp.max(x, axis=1)  # [P, NCH]


def _scatter(pillar_feats, coors, valid):
    idx = coors[:, 1] * NX + coors[:, 2]
    idx = jnp.where(valid, idx, NY * NX)
    canvas = jnp.zeros((NCH, NY * NX + 1), dtype=pillar_feats.dtype)
    canvas = canvas.at[:, idx].set(pillar_feats.T)  # scatter-overwrite into pseudo image
    return canvas[:, :NY * NX].reshape(NCH, NY, NX)


def reference(voxels, num_points, coordinates, num_nonempty_voxels, pfn_weight, bn_gamma, bn_beta):
    P = voxels.shape[1]
    pillar_ids = jnp.arange(P, dtype=num_nonempty_voxels.dtype)
    pseudos = []
    for b in range(voxels.shape[0]):
        valid = pillar_ids < num_nonempty_voxels[b]
        pf = _pillar_feature_net(voxels[b], num_points[b], coordinates[b],
                                 pfn_weight, bn_gamma, bn_beta)
        pseudos.append(_scatter(pf, coordinates[b], valid)[None])
    return jnp.concatenate(pseudos, axis=0)  # [B, NCH, NY, NX]

if __name__ == "__main__":
    import jax
    _d = setup_inputs()
    print(jax.jit(kernel)(*tuple(_d.values())))

</pallas_src>

<mosaic_0001>
#map = affine_map<(d0, d1) -> (0)>
#map1 = affine_map<(d0, d1) -> (0, 0, 0, 0)>
module attributes {stable_mosaic.version = 14 : i64} {
  func.func @k(%arg0: i32, %arg1: i32, %arg2: memref<857088xi32, #tpu.memory_space<hbm>>, %arg3: memref<3072000xf32, #tpu.memory_space<hbm>>, %arg4: memref<4x64x496x432xf32, #tpu.memory_space<hbm>>, %arg5: memref<48000xf32, #tpu.memory_space<vmem>>, %arg6: memref<3456xi32, #tpu.memory_space<vmem>>, %arg7: memref<4x8x432xf32, #tpu.memory_space<vmem>>) attributes {dimension_semantics = [#tpu.dimension_semantics<core_parallel>, #tpu.dimension_semantics<subcore_parallel>], iteration_bounds = array<i64: 2, 16>, scalar_prefetch = 0 : i64, scratch_operands = 3 : i64, tpu.core_type = #tpu.core_type<sc_vector_subcore>, window_params = [{transform_indices = #map}, {transform_indices = #map}, {transform_indices = #map1}]} {
    %mul3A = arith.constant 2 : i32
    %mul3A_0 = arith.muli %arg1, %mul3A : i32
    %add3A = arith.addi %mul3A_0, %arg0 : i32
    %jit3A = arith.constant 16 : i32
    %eq3A = arith.constant 0 : i32
    %eq3A_1 = arith.cmpi eq, %jit3A, %eq3A : i32
    %jit3A_2 = arith.constant 1 : i32
    %select_n3A = arith.select %eq3A_1, %jit3A_2, %jit3A : i32
    %rem3A = arith.remsi %add3A, %select_n3A : i32
    %ne3A = arith.constant 0 : i32
    %ne3A_3 = arith.cmpi ne, %rem3A, %ne3A : i32
    %lt3A = arith.constant 0 : i32
    %lt3A_4 = arith.cmpi slt, %rem3A, %lt3A : i32
    %lt3A_5 = arith.constant 0 : i32
    %lt3A_6 = arith.cmpi slt, %select_n3A, %lt3A_5 : i32
    %ne3A_7 = arith.xori %lt3A_4, %lt3A_6 : i1
    %and3A = arith.andi %ne3A_7, %ne3A_3 : i1
    %add3A_8 = arith.addi %rem3A, %select_n3A : i32
    %select_n3A_9 = arith.select %and3A, %add3A_8, %rem3A : i32
    %jit3A_10 = arith.constant 16 : i32
    %div3A = arith.divsi %add3A, %jit3A_10 : i32
    %sign3A = arith.constant 0 : i32
    %sign3A_11 = arith.cmpi sgt, %add3A, %sign3A : i32
    %sign3A_12 = arith.extui %sign3A_11 : i1 to i32
    %sign3A_13 = arith.constant 0 : i32
    %sign3A_14 = arith.cmpi slt, %add3A, %sign3A_13 : i32
    %sign3A_15 = arith.extui %sign3A_14 : i1 to i32
    %sign3A_16 = arith.subi %sign3A_12, %sign3A_15 : i32
    %sign3A_17 = arith.constant 0 : i32
    %sign3A_18 = arith.cmpi sgt, %jit3A_10, %sign3A_17 : i32
    %sign3A_19 = arith.extui %sign3A_18 : i1 to i32
    %sign3A_20 = arith.constant 0 : i32
    %sign3A_21 = arith.cmpi slt, %jit3A_10, %sign3A_20 : i32
    %sign3A_22 = arith.extui %sign3A_21 : i1 to i32
    %sign3A_23 = arith.subi %sign3A_19, %sign3A_22 : i32
    %ne3A_24 = arith.cmpi ne, %sign3A_16, %sign3A_23 : i32
    %rem3A_25 = arith.remsi %add3A, %jit3A_10 : i32
    %ne3A_26 = arith.constant 0 : i32
    %ne3A_27 = arith.cmpi ne, %rem3A_25, %ne3A_26 : i32
    %and3A_28 = arith.andi %ne3A_24, %ne3A_27 : i1
    %sub3A = arith.constant 1 : i32
    %sub3A_29 = arith.subi %div3A, %sub3A : i32
    %select_n3A_30 = arith.select %and3A_28, %sub3A_29, %div3A : i32
    %mul3A_31 = arith.constant 4 : i32
    %mul3A_32 = arith.muli %select_n3A_9, %mul3A_31 : i32
    %mul3A_33 = arith.constant 248 : i32
    %mul3A_34 = arith.muli %select_n3A_30, %mul3A_33 : i32
    %add3A_35 = arith.constant 0 : i32
    %add3A_36 = arith.addi %add3A_35, %mul3A_32 : i32
    %mul3A_37 = arith.constant 12000 : i32
    %mul3A_38 = arith.muli %add3A_36, %mul3A_37 : i32
    "tpu.region"() ({
      %run_scoped3A = tpu.sem_alloc : memref<!tpu.dma_semaphore, #tpu.memory_space<semaphore_mem>>
      %dma_start3A = tpu.memref_slice %arg3[%mul3A_38] : memref<3072000xf32, #tpu.memory_space<hbm>> -> memref<48000xf32, #tpu.memory_space<hbm>>
      %dma_start3A_74 = tpu.memref_slice %arg3[%mul3A_38] : memref<3072000xf32, #tpu.memory_space<hbm>> -> memref<48000xf32, #tpu.memory_space<hbm>>
      tpu.enqueue_dma source(%dma_start3A_74 : memref<48000xf32, #tpu.memory_space<hbm>>) target(%arg5 : memref<48000xf32, #tpu.memory_space<vmem>>) target_semaphore(%run_scoped3A : memref<!tpu.dma_semaphore, #tpu.memory_space<semaphore_mem>>)
      %dma_wait3A = tpu.memref_slice %arg3[%mul3A_38] : memref<3072000xf32, #tpu.memory_space<hbm>> -> memref<48000xf32, #tpu.memory_space<hbm>>
      %dma_wait3A_75 = tpu.memref_slice %arg3[%mul3A_38] : memref<3072000xf32, #tpu.memory_space<hbm>> -> memref<48000xf32, #tpu.memory_space<hbm>>
      tpu.wait_dma2 semaphore(%run_scoped3A : memref<!tpu.dma_semaphore, #tpu.memory_space<semaphore_mem>>) src(%dma_wait3A_75 : memref<48000xf32, #tpu.memory_space<hbm>>) dst(%arg5 : memref<48000xf32, #tpu.memory_space<vmem>>)
      tpu.yield
    }) : () -> ()
    %scan3A = arith.constant 0 : i32
    %scan3A_39 = arith.constant 0 : i32
    %scan3A_40 = arith.constant 31 : i32
    %scan3A_41 = arith.addi %scan3A_39, %scan3A_40 : i32
    %scan3A_42 = arith.constant 1 : i32
    scf.for %scan3A_74 = %scan3A_39 to %scan3A_41 step %scan3A_42  : i32 {
      %mul3A_75 = arith.constant 8 : i32
      %mul3A_76 = arith.muli %scan3A_74, %mul3A_75 : i32
      %add3A_77 = arith.addi %mul3A_34, %mul3A_76 : i32
      %mul3A_78 = arith.constant 432 : i32
      %mul3A_79 = arith.muli %add3A_77, %mul3A_78 : i32
      %add3A_80 = arith.constant 0 : i32
      %add3A_81 = arith.addi %add3A_80, %mul3A_79 : i32
      "tpu.region"() ({
        %run_scoped3A_88 = tpu.sem_alloc : memref<!tpu.dma_semaphore, #tpu.memory_space<semaphore_mem>>
        %dma_start3A = tpu.memref_slice %arg2[%add3A_81] : memref<857088xi32, #tpu.memory_space<hbm>> -> memref<3456xi32, #tpu.memory_space<hbm>>
        %dma_start3A_89 = tpu.memref_slice %arg2[%add3A_81] : memref<857088xi32, #tpu.memory_space<hbm>> -> memref<3456xi32, #tpu.memory_space<hbm>>
        tpu.enqueue_dma source(%dma_start3A_89 : memref<3456xi32, #tpu.memory_space<hbm>>) target(%arg6 : memref<3456xi32, #tpu.memory_space<vmem>>) target_semaphore(%run_scoped3A_88 : memref<!tpu.dma_semaphore, #tpu.memory_space<semaphore_mem>>)
        %dma_wait3A = tpu.memref_slice %arg2[%add3A_81] : memref<857088xi32, #tpu.memory_space<hbm>> -> memref<3456xi32, #tpu.memory_space<hbm>>
        %dma_wait3A_90 = tpu.memref_slice %arg2[%add3A_81] : memref<857088xi32, #tpu.memory_space<hbm>> -> memref<3456xi32, #tpu.memory_space<hbm>>
        tpu.wait_dma2 semaphore(%run_scoped3A_88 : memref<!tpu.dma_semaphore, #tpu.memory_space<semaphore_mem>>) src(%dma_wait3A_90 : memref<3456xi32, #tpu.memory_space<hbm>>) dst(%arg6 : memref<3456xi32, #tpu.memory_space<vmem>>)
        tpu.yield
      }) : () -> ()
      %scan3A_82 = arith.constant 0 : i32
      %scan3A_83 = arith.constant 0 : i32
      %scan3A_84 = arith.constant 216 : i32
      %scan3A_85 = arith.addi %scan3A_83, %scan3A_84 : i32
      %scan3A_86 = arith.constant 1 : i32
      scf.for %scan3A_88 = %scan3A_83 to %scan3A_85 step %scan3A_86  : i32 {
        %jit3A_89 = arith.constant 27 : i32
        %div3A_90 = arith.divsi %scan3A_88, %jit3A_89 : i32
        %sign3A_91 = arith.constant 0 : i32
        %sign3A_92 = arith.cmpi sgt, %scan3A_88, %sign3A_91 : i32
        %sign3A_93 = arith.extui %sign3A_92 : i1 to i32
        %sign3A_94 = arith.constant 0 : i32
        %sign3A_95 = arith.cmpi slt, %scan3A_88, %sign3A_94 : i32
        %sign3A_96 = arith.extui %sign3A_95 : i1 to i32
        %sign3A_97 = arith.subi %sign3A_93, %sign3A_96 : i32
        %sign3A_98 = arith.constant 0 : i32
        %sign3A_99 = arith.cmpi sgt, %jit3A_89, %sign3A_98 : i32
        %sign3A_100 = arith.extui %sign3A_99 : i1 to i32
        %sign3A_101 = arith.constant 0 : i32
        %sign3A_102 = arith.cmpi slt, %jit3A_89, %sign3A_101 : i32
        %sign3A_103 = arith.extui %sign3A_102 : i1 to i32
        %sign3A_104 = arith.subi %sign3A_100, %sign3A_103 : i32
        %ne3A_105 = arith.cmpi ne, %sign3A_97, %sign3A_104 : i32
        %rem3A_106 = arith.remsi %scan3A_88, %jit3A_89 : i32
        %ne3A_107 = arith.constant 0 : i32
        %ne3A_108 = arith.cmpi ne, %rem3A_106, %ne3A_107 : i32
        %and3A_109 = arith.andi %ne3A_105, %ne3A_108 : i1
        %sub3A_110 = arith.constant 1 : i32
        %sub3A_111 = arith.subi %div3A_90, %sub3A_110 : i32
        %select_n3A_112 = arith.select %and3A_109, %sub3A_111, %div3A_90 : i32
        %jit3A_113 = arith.constant 27 : i32
        %eq3A_114 = arith.constant 0 : i32
        %eq3A_115 = arith.cmpi eq, %jit3A_113, %eq3A_114 : i32
        %jit3A_116 = arith.constant 1 : i32
        %select_n3A_117 = arith.select %eq3A_115, %jit3A_116, %jit3A_113 : i32
        %rem3A_118 = arith.remsi %scan3A_88, %select_n3A_117 : i32
        %ne3A_119 = arith.constant 0 : i32
        %ne3A_120 = arith.cmpi ne, %rem3A_118, %ne3A_119 : i32
        %lt3A_121 = arith.constant 0 : i32
        %lt3A_122 = arith.cmpi slt, %rem3A_118, %lt3A_121 : i32
        %lt3A_123 = arith.constant 0 : i32
        %lt3A_124 = arith.cmpi slt, %select_n3A_117, %lt3A_123 : i32
        %ne3A_125 = arith.xori %lt3A_122, %lt3A_124 : i1
        %and3A_126 = arith.andi %ne3A_125, %ne3A_120 : i1
        %add3A_127 = arith.addi %rem3A_118, %select_n3A_117 : i32
        %select_n3A_128 = arith.select %and3A_126, %add3A_127, %rem3A_118 : i32
        %mul3A_129 = arith.constant 16 : i32
        %mul3A_130 = arith.muli %select_n3A_128, %mul3A_129 : i32
        %mul3A_131 = arith.constant 16 : i32
        %mul3A_132 = arith.muli %scan3A_88, %mul3A_131 : i32
        %get3A = arith.index_cast %mul3A_132 : i32 to index
        %get3A_133 = tpu.vector_load %arg6[%get3A] {strides = array<i32>} : memref<3456xi32, #tpu.memory_space<vmem>>, vector<16xi32>,
        %ge3A = arith.constant 0 : i32
        %ge3A_134 = vector.broadcast %ge3A : i32 to vector<16xi32>
        %ge3A_135 = arith.cmpi sge, %get3A_133, %ge3A_134 : vector<16xi32>
        %jit3A_136 = arith.constant 0 : i32
        %broadcast_in_dim3A = vector.broadcast %jit3A_136 : i32 to vector<16xi32>
        %select_n3A_137 = arith.select %ge3A_135, %get3A_133, %broadcast_in_dim3A : vector<16xi1>, vector<16xi32>
        %add3A_138 = arith.constant 0 : i32
        %add3A_139 = vector.broadcast %add3A_138 : i32 to vector<16xi32>
        %add3A_140 = arith.addi %select_n3A_137, %add3A_139 : vector<16xi32>
        %gather3A = tpu.vector_load_idx %arg5[%add3A_140] : memref<48000xf32, #tpu.memory_space<vmem>>[vector<16xi32>], vector<16xf32>,
        %jit3A_141 = arith.constant 0.000000e+00 : f32
        %broadcast_in_dim3A_142 = vector.broadcast %jit3A_141 : f32 to vector<16xf32>
        %select_n3A_143 = arith.select %ge3A_135, %gather3A, %broadcast_in_dim3A_142 : vector<16xi1>, vector<16xf32>
        %swap3A = arith.constant 0 : i32
        %swap3A_144 = arith.index_cast %swap3A : i32 to index
        %swap3A_145 = arith.index_cast %select_n3A_112 : i32 to index
        %swap3A_146 = arith.index_cast %mul3A_130 : i32 to index
        %swap3A_147 = tpu.vector_load %arg7[%swap3A_144, %swap3A_145, %swap3A_146] {strides = array<i32>} : memref<4x8x432xf32, #tpu.memory_space<vmem>>, vector<16xf32>,
        tpu.vector_store %arg7[%swap3A_144, %swap3A_145, %swap3A_146], %select_n3A_143 {strides = array<i32>} : memref<4x8x432xf32, #tpu.memory_space<vmem>>, vector<16xf32>,
        %add3A_148 = arith.constant 12000 : i32
        %add3A_149 = vector.broadcast %add3A_148 : i32 to vector<16xi32>
        %add3A_150 = arith.addi %select_n3A_137, %add3A_149 : vector<16xi32>
        %gather3A_151 = tpu.vector_load_idx %arg5[%add3A_150] : memref<48000xf32, #tpu.memory_space<vmem>>[vector<16xi32>], vector<16xf32>,
        %jit3A_152 = arith.constant 0.000000e+00 : f32
        %broadcast_in_dim3A_153 = vector.broadcast %jit3A_152 : f32 to vector<16xf32>
        %select_n3A_154 = arith.select %ge3A_135, %gather3A_151, %broadcast_in_dim3A_153 : vector<16xi1>, vector<16xf32>
        %swap3A_155 = arith.constant 1 : i32
        %swap3A_156 = arith.index_cast %swap3A_155 : i32 to index
        %swap3A_157 = arith.index_cast %select_n3A_112 : i32 to index
        %swap3A_158 = arith.index_cast %mul3A_130 : i32 to index
        %swap3A_159 = tpu.vector_load %arg7[%swap3A_156, %swap3A_157, %swap3A_158] {strides = array<i32>} : memref<4x8x432xf32, #tpu.memory_space<vmem>>, vector<16xf32>,
        tpu.vector_store %arg7[%swap3A_156, %swap3A_157, %swap3A_158], %select_n3A_154 {strides = array<i32>} : memref<4x8x432xf32, #tpu.memory_space<vmem>>, vector<16xf32>,
        %add3A_160 = arith.constant 24000 : i32
        %add3A_161 = vector.broadcast %add3A_160 : i32 to vector<16xi32>
        %add3A_162 = arith.addi %select_n3A_137, %add3A_161 : vector<16xi32>
        %gather3A_163 = tpu.vector_load_idx %arg5[%add3A_162] : memref<48000xf32, #tpu.memory_space<vmem>>[vector<16xi32>], vector<16xf32>,
        %jit3A_164 = arith.constant 0.000000e+00 : f32
        %broadcast_in_dim3A_165 = vector.broadcast %jit3A_164 : f32 to vector<16xf32>
        %select_n3A_166 = arith.select %ge3A_135, %gather3A_163, %broadcast_in_dim3A_165 : vector<16xi1>, vector<16xf32>
        %swap3A_167 = arith.constant 2 : i32
        %swap3A_168 = arith.index_cast %swap3A_167 : i32 to index
        %swap3A_169 = arith.index_cast %select_n3A_112 : i32 to index
        %swap3A_170 = arith.index_cast %mul3A_130 : i32 to index
        %swap3A_171 = tpu.vector_load %arg7[%swap3A_168, %swap3A_169, %swap3A_170] {strides = array<i32>} : memref<4x8x432xf32, #tpu.memory_space<vmem>>, vector<16xf32>,
        tpu.vector_store %arg7[%swap3A_168, %swap3A_169, %swap3A_170], %select_n3A_166 {strides = array<i32>} : memref<4x8x432xf32, #tpu.memory_space<vmem>>, vector<16xf32>,
        %add3A_172 = arith.constant 36000 : i32
        %add3A_173 = vector.broadcast %add3A_172 : i32 to vector<16xi32>
        %add3A_174 = arith.addi %select_n3A_137, %add3A_173 : vector<16xi32>
        %gather3A_175 = tpu.vector_load_idx %arg5[%add3A_174] : memref<48000xf32, #tpu.memory_space<vmem>>[vector<16xi32>], vector<16xf32>,
        %jit3A_176 = arith.constant 0.000000e+00 : f32
        %broadcast_in_dim3A_177 = vector.broadcast %jit3A_176 : f32 to vector<16xf32>
        %select_n3A_178 = arith.select %ge3A_135, %gather3A_175, %broadcast_in_dim3A_177 : vector<16xi1>, vector<16xf32>
        %swap3A_179 = arith.constant 3 : i32
        %swap3A_180 = arith.index_cast %swap3A_179 : i32 to index
        %swap3A_181 = arith.index_cast %select_n3A_112 : i32 to index
        %swap3A_182 = arith.index_cast %mul3A_130 : i32 to index
        %swap3A_183 = tpu.vector_load %arg7[%swap3A_180, %swap3A_181, %swap3A_182] {strides = array<i32>} : memref<4x8x432xf32, #tpu.memory_space<vmem>>, vector<16xf32>,
        tpu.vector_store %arg7[%swap3A_180, %swap3A_181, %swap3A_182], %select_n3A_178 {strides = array<i32>} : memref<4x8x432xf32, #tpu.memory_space<vmem>>, vector<16xf32>,
      }
      %scan3A_87 = arith.constant 216 : i32
      %run_scoped3A = arith.constant 0 : i32
      "tpu.region"() ({
        %run_scoped3A_88 = tpu.sem_alloc : memref<!tpu.dma_semaphore, #tpu.memory_space<semaphore_mem>>
        %dma_start3A = arith.constant 0 : i32
        %dma_start3A_89 = tpu.memref_slice %arg4[%run_scoped3A, %mul3A_32, %add3A_77, %dma_start3A] : memref<4x64x496x432xf32, #tpu.memory_space<hbm>> -> memref<1x4x8x432xf32, #tpu.memory_space<hbm>>
        %dma_start3A_90 = tpu.memref_squeeze %dma_start3A_89 : memref<1x4x8x432xf32, #tpu.memory_space<hbm>> -> memref<4x8x432xf32, #tpu.memory_space<hbm>>
        %dma_start3A_91 = arith.constant 0 : i32
        %dma_start3A_92 = tpu.memref_slice %arg4[%run_scoped3A, %mul3A_32, %add3A_77, %dma_start3A_91] : memref<4x64x496x432xf32, #tpu.memory_space<hbm>> -> memref<1x4x8x432xf32, #tpu.memory_space<hbm>>
        %dma_start3A_93 = tpu.memref_squeeze %dma_start3A_92 : memref<1x4x8x432xf32, #tpu.memory_space<hbm>> -> memref<4x8x432xf32, #tpu.memory_space<hbm>>
        tpu.enqueue_dma source(%arg7 : memref<4x8x432xf32, #tpu.memory_space<vmem>>) target(%dma_start3A_93 : memref<4x8x432xf32, #tpu.memory_space<hbm>>) target_semaphore(%run_scoped3A_88 : memref<!tpu.dma_semaphore, #tpu.memory_space<semaphore_mem>>)
        %dma_wait3A = arith.constant 0 : i32
        %dma_wait3A_94 = tpu.memref_slice %arg4[%run_scoped3A, %mul3A_32, %add3A_77, %dma_wait3A] : memref<4x64x496x432xf32, #tpu.memory_space<hbm>> -> memref<1x4x8x432xf32, #tpu.memory_space<hbm>>
        %dma_wait3A_95 = tpu.memref_squeeze %dma_wait3A_94 : memref<1x4x8x432xf32, #tpu.memory_space<hbm>> -> memref<4x8x432xf32, #tpu.memory_space<hbm>>
        %dma_wait3A_96 = arith.constant 0 : i32
        %dma_wait3A_97 = tpu.memref_slice %arg4[%run_scoped3A, %mul3A_32, %add3A_77, %dma_wait3A_96] : memref<4x64x496x432xf32, #tpu.memory_space<hbm>> -> memref<1x4x8x432xf32, #tpu.memory_space<hbm>>
        %dma_wait3A_98 = tpu.memref_squeeze %dma_wait3A_97 : memref<1x4x8x432xf32, #tpu.memory_space<hbm>> -> memref<4x8x432xf32, #tpu.memory_space<hbm>>
        tpu.wait_dma2 semaphore(%run_scoped3A_88 : memref<!tpu.dma_semaphore, #tpu.memory_space<semaphore_mem>>) src(%arg7 : memref<4x8x432xf32, #tpu.memory_space<vmem>>) dst(%dma_wait3A_98 : memref<4x8x432xf32, #tpu.memory_space<hbm>>)
        tpu.yield
      }) : () -> ()
    }
    %scan3A_43 = arith.constant 31 : i32
    %add3A_44 = arith.constant 64 : i32
    %add3A_45 = arith.addi %add3A_44, %mul3A_32 : i32
    %mul3A_46 = arith.constant 12000 : i32
    %mul3A_47 = arith.muli %add3A_45, %mul3A_46 : i32
    "tpu.region"() ({
      %run_scoped3A = tpu.sem_alloc : memref<!tpu.dma_semaphore, #tpu.memory_space<semaphore_mem>>
      %dma_start3A = tpu.memref_slice %arg3[%mul3A_47] : memref<3072000xf32, #tpu.memory_space<hbm>> -> memref<48000xf32, #tpu.memory_space<hbm>>
      %dma_start3A_74 = tpu.memref_slice %arg3[%mul3A_47] : memref<3072000xf32, #tpu.memory_space<hbm>> -> memref<48000xf32, #tpu.memory_space<hbm>>
      tpu.enqueue_dma source(%dma_start3A_74 : memref<48000xf32, #tpu.memory_space<hbm>>) target(%arg5 : memref<48000xf32, #tpu.memory_space<vmem>>) target_semaphore(%run_scoped3A : memref<!tpu.dma_semaphore, #tpu.memory_space<semaphore_mem>>)
      %dma_wait3A = tpu.memref_slice %arg3[%mul3A_47] : memref<3072000xf32, #tpu.memory_space<hbm>> -> memref<48000xf32, #tpu.memory_space<hbm>>
      %dma_wait3A_75 = tpu.memref_slice %arg3[%mul3A_47] : memref<3072000xf32, #tpu.memory_space<hbm>> -> memref<48000xf32, #tpu.memory_space<hbm>>
      tpu.wait_dma2 semaphore(%run_scoped3A : memref<!tpu.dma_semaphore, #tpu.memory_space<semaphore_mem>>) src(%dma_wait3A_75 : memref<48000xf32, #tpu.memory_space<hbm>>) dst(%arg5 : memref<48000xf32, #tpu.memory_space<vmem>>)
      tpu.yield
    }) : () -> ()
    %scan3A_48 = arith.constant 0 : i32
    %scan3A_49 = arith.constant 0 : i32
    %scan3A_50 = arith.constant 31 : i32
    %scan3A_51 = arith.addi %scan3A_49, %scan3A_50 : i32
    %scan3A_52 = arith.constant 1 : i32
    scf.for %scan3A_74 = %scan3A_49 to %scan3A_51 step %scan3A_52  : i32 {
      %mul3A_75 = arith.constant 8 : i32
      %mul3A_76 = arith.muli %scan3A_74, %mul3A_75 : i32
      %add3A_77 = arith.addi %mul3A_34, %mul3A_76 : i32
      %mul3A_78 = arith.constant 432 : i32
      %mul3A_79 = arith.muli %add3A_77, %mul3A_78 : i32
      %add3A_80 = arith.constant 214272 : i32
      %add3A_81 = arith.addi %add3A_80, %mul3A_79 : i32
      "tpu.region"() ({
        %run_scoped3A_88 = tpu.sem_alloc : memref<!tpu.dma_semaphore, #tpu.memory_space<semaphore_mem>>
        %dma_start3A = tpu.memref_slice %arg2[%add3A_81] : memref<857088xi32, #tpu.memory_space<hbm>> -> memref<3456xi32, #tpu.memory_space<hbm>>
        %dma_start3A_89 = tpu.memref_slice %arg2[%add3A_81] : memref<857088xi32, #tpu.memory_space<hbm>> -> memref<3456xi32, #tpu.memory_space<hbm>>
        tpu.enqueue_dma source(%dma_start3A_89 : memref<3456xi32, #tpu.memory_space<hbm>>) target(%arg6 : memref<3456xi32, #tpu.memory_space<vmem>>) target_semaphore(%run_scoped3A_88 : memref<!tpu.dma_semaphore, #tpu.memory_space<semaphore_mem>>)
        %dma_wait3A = tpu.memref_slice %arg2[%add3A_81] : memref<857088xi32, #tpu.memory_space<hbm>> -> memref<3456xi32, #tpu.memory_space<hbm>>
        %dma_wait3A_90 = tpu.memref_slice %arg2[%add3A_81] : memref<857088xi32, #tpu.memory_space<hbm>> -> memref<3456xi32, #tpu.memory_space<hbm>>
        tpu.wait_dma2 semaphore(%run_scoped3A_88 : memref<!tpu.dma_semaphore, #tpu.memory_space<semaphore_mem>>) src(%dma_wait3A_90 : memref<3456xi32, #tpu.memory_space<hbm>>) dst(%arg6 : memref<3456xi32, #tpu.memory_space<vmem>>)
        tpu.yield
      }) : () -> ()
      %scan3A_82 = arith.constant 0 : i32
      %scan3A_83 = arith.constant 0 : i32
      %scan3A_84 = arith.constant 216 : i32
      %scan3A_85 = arith.addi %scan3A_83, %scan3A_84 : i32
      %scan3A_86 = arith.constant 1 : i32
      scf.for %scan3A_88 = %scan3A_83 to %scan3A_85 step %scan3A_86  : i32 {
        %jit3A_89 = arith.constant 27 : i32
        %div3A_90 = arith.divsi %scan3A_88, %jit3A_89 : i32
        %sign3A_91 = arith.constant 0 : i32
        %sign3A_92 = arith.cmpi sgt, %scan3A_88, %sign3A_91 : i32
        %sign3A_93 = arith.extui %sign3A_92 : i1 to i32
        %sign3A_94 = arith.constant 0 : i32
        %sign3A_95 = arith.cmpi slt, %scan3A_88, %sign3A_94 : i32
        %sign3A_96 = arith.extui %sign3A_95 : i1 to i32
        %sign3A_97 = arith.subi %sign3A_93, %sign3A_96 : i32
        %sign3A_98 = arith.constant 0 : i32
        %sign3A_99 = arith.cmpi sgt, %jit3A_89, %sign3A_98 : i32
        %sign3A_100 = arith.extui %sign3A_99 : i1 to i32
        %sign3A_101 = arith.constant 0 : i32
        %sign3A_102 = arith.cmpi slt, %jit3A_89, %sign3A_101 : i32
        %sign3A_103 = arith.extui %sign3A_102 : i1 to i32
        %sign3A_104 = arith.subi %sign3A_100, %sign3A_103 : i32
        %ne3A_105 = arith.cmpi ne, %sign3A_97, %sign3A_104 : i32
        %rem3A_106 = arith.remsi %scan3A_88, %jit3A_89 : i32
        %ne3A_107 = arith.constant 0 : i32
        %ne3A_108 = arith.cmpi ne, %rem3A_106, %ne3A_107 : i32
        %and3A_109 = arith.andi %ne3A_105, %ne3A_108 : i1
        %sub3A_110 = arith.constant 1 : i32
        %sub3A_111 = arith.subi %div3A_90, %sub3A_110 : i32
        %select_n3A_112 = arith.select %and3A_109, %sub3A_111, %div3A_90 : i32
        %jit3A_113 = arith.constant 27 : i32
        %eq3A_114 = arith.constant 0 : i32
        %eq3A_115 = arith.cmpi eq, %jit3A_113, %eq3A_114 : i32
        %jit3A_116 = arith.constant 1 : i32
        %select_n3A_117 = arith.select %eq3A_115, %jit3A_116, %jit3A_113 : i32
        %rem3A_118 = arith.remsi %scan3A_88, %select_n3A_117 : i32
        %ne3A_119 = arith.constant 0 : i32
        %ne3A_120 = arith.cmpi ne, %rem3A_118, %ne3A_119 : i32
        %lt3A_121 = arith.constant 0 : i32
        %lt3A_122 = arith.cmpi slt, %rem3A_118, %lt3A_121 : i32
        %lt3A_123 = arith.constant 0 : i32
        %lt3A_124 = arith.cmpi slt, %select_n3A_117, %lt3A_123 : i32
        %ne3A_125 = arith.xori %lt3A_122, %lt3A_124 : i1
        %and3A_126 = arith.andi %ne3A_125, %ne3A_120 : i1
        %add3A_127 = arith.addi %rem3A_118, %select_n3A_117 : i32
        %select_n3A_128 = arith.select %and3A_126, %add3A_127, %rem3A_118 : i32
        %mul3A_129 = arith.constant 16 : i32
        %mul3A_130 = arith.muli %select_n3A_128, %mul3A_129 : i32
        %mul3A_131 = arith.constant 16 : i32
        %mul3A_132 = arith.muli %scan3A_88, %mul3A_131 : i32
        %get3A = arith.index_cast %mul3A_132 : i32 to index
        %get3A_133 = tpu.vector_load %arg6[%get3A] {strides = array<i32>} : memref<3456xi32, #tpu.memory_space<vmem>>, vector<16xi32>,
        %ge3A = arith.constant 0 : i32
        %ge3A_134 = vector.broadcast %ge3A : i32 to vector<16xi32>
        %ge3A_135 = arith.cmpi sge, %get3A_133, %ge3A_134 : vector<16xi32>
        %jit3A_136 = arith.constant 0 : i32
        %broadcast_in_dim3A = vector.broadcast %jit3A_136 : i32 to vector<16xi32>
        %select_n3A_137 = arith.select %ge3A_135, %get3A_133, %broadcast_in_dim3A : vector<16xi1>, vector<16xi32>
        %add3A_138 = arith.constant 0 : i32
        %add3A_139 = vector.broadcast %add3A_138 : i32 to vector<16xi32>
        %add3A_140 = arith.addi %select_n3A_137, %add3A_139 : vector<16xi32>
        %gather3A = tpu.vector_load_idx %arg5[%add3A_140] : memref<48000xf32, #tpu.memory_space<vmem>>[vector<16xi32>], vector<16xf32>,
        %jit3A_141 = arith.constant 0.000000e+00 : f32
        %broadcast_in_dim3A_142 = vector.broadcast %jit3A_141 : f32 to vector<16xf32>
        %select_n3A_143 = arith.select %ge3A_135, %gather3A, %broadcast_in_dim3A_142 : vector<16xi1>, vector<16xf32>
        %swap3A = arith.constant 0 : i32
        %swap3A_144 = arith.index_cast %swap3A : i32 to index
        %swap3A_145 = arith.index_cast %select_n3A_112 : i32 to index
        %swap3A_146 = arith.index_cast %mul3A_130 : i32 to index
        %swap3A_147 = tpu.vector_load %arg7[%swap3A_144, %swap3A_145, %swap3A_146] {strides = array<i32>} : memref<4x8x432xf32, #tpu.memory_space<vmem>>, vector<16xf32>,
        tpu.vector_store %arg7[%swap3A_144, %swap3A_145, %swap3A_146], %select_n3A_143 {strides = array<i32>} : memref<4x8x432xf32, #tpu.memory_space<vmem>>, vector<16xf32>,
        %add3A_148 = arith.constant 12000 : i32
        %add3A_149 = vector.broadcast %add3A_148 : i32 to vector<16xi32>
        %add3A_150 = arith.addi %select_n3A_137, %add3A_149 : vector<16xi32>
        %gather3A_151 = tpu.vector_load_idx %arg5[%add3A_150] : memref<48000xf32, #tpu.memory_space<vmem>>[vector<16xi32>], vector<16xf32>,
        %jit3A_152 = arith.constant 0.000000e+00 : f32
        %broadcast_in_dim3A_153 = vector.broadcast %jit3A_152 : f32 to vector<16xf32>
        %select_n3A_154 = arith.select %ge3A_135, %gather3A_151, %broadcast_in_dim3A_153 : vector<16xi1>, vector<16xf32>
        %swap3A_155 = arith.constant 1 : i32
        %swap3A_156 = arith.index_cast %swap3A_155 : i32 to index
        %swap3A_157 = arith.index_cast %select_n3A_112 : i32 to index
        %swap3A_158 = arith.index_cast %mul3A_130 : i32 to index
        %swap3A_159 = tpu.vector_load %arg7[%swap3A_156, %swap3A_157, %swap3A_158] {strides = array<i32>} : memref<4x8x432xf32, #tpu.memory_space<vmem>>, vector<16xf32>,
        tpu.vector_store %arg7[%swap3A_156, %swap3A_157, %swap3A_158], %select_n3A_154 {strides = array<i32>} : memref<4x8x432xf32, #tpu.memory_space<vmem>>, vector<16xf32>,
        %add3A_160 = arith.constant 24000 : i32
        %add3A_161 = vector.broadcast %add3A_160 : i32 to vector<16xi32>
        %add3A_162 = arith.addi %select_n3A_137, %add3A_161 : vector<16xi32>
        %gather3A_163 = tpu.vector_load_idx %arg5[%add3A_162] : memref<48000xf32, #tpu.memory_space<vmem>>[vector<16xi32>], vector<16xf32>,
        %jit3A_164 = arith.constant 0.000000e+00 : f32
        %broadcast_in_dim3A_165 = vector.broadcast %jit3A_164 : f32 to vector<16xf32>
        %select_n3A_166 = arith.select %ge3A_135, %gather3A_163, %broadcast_in_dim3A_165 : vector<16xi1>, vector<16xf32>
        %swap3A_167 = arith.constant 2 : i32
        %swap3A_168 = arith.index_cast %swap3A_167 : i32 to index
        %swap3A_169 = arith.index_cast %select_n3A_112 : i32 to index
        %swap3A_170 = arith.index_cast %mul3A_130 : i32 to index
        %swap3A_171 = tpu.vector_load %arg7[%swap3A_168, %swap3A_169, %swap3A_170] {strides = array<i32>} : memref<4x8x432xf32, #tpu.memory_space<vmem>>, vector<16xf32>,
        tpu.vector_store %arg7[%swap3A_168, %swap3A_169, %swap3A_170], %select_n3A_166 {strides = array<i32>} : memref<4x8x432xf32, #tpu.memory_space<vmem>>, vector<16xf32>,
        %add3A_172 = arith.constant 36000 : i32
        %add3A_173 = vector.broadcast %add3A_172 : i32 to vector<16xi32>
        %add3A_174 = arith.addi %select_n3A_137, %add3A_173 : vector<16xi32>
        %gather3A_175 = tpu.vector_load_idx %arg5[%add3A_174] : memref<48000xf32, #tpu.memory_space<vmem>>[vector<16xi32>], vector<16xf32>,
        %jit3A_176 = arith.constant 0.000000e+00 : f32
        %broadcast_in_dim3A_177 = vector.broadcast %jit3A_176 : f32 to vector<16xf32>
        %select_n3A_178 = arith.select %ge3A_135, %gather3A_175, %broadcast_in_dim3A_177 : vector<16xi1>, vector<16xf32>
        %swap3A_179 = arith.constant 3 : i32
        %swap3A_180 = arith.index_cast %swap3A_179 : i32 to index
        %swap3A_181 = arith.index_cast %select_n3A_112 : i32 to index
        %swap3A_182 = arith.index_cast %mul3A_130 : i32 to index
        %swap3A_183 = tpu.vector_load %arg7[%swap3A_180, %swap3A_181, %swap3A_182] {strides = array<i32>} : memref<4x8x432xf32, #tpu.memory_space<vmem>>, vector<16xf32>,
        tpu.vector_store %arg7[%swap3A_180, %swap3A_181, %swap3A_182], %select_n3A_178 {strides = array<i32>} : memref<4x8x432xf32, #tpu.memory_space<vmem>>, vector<16xf32>,
      }
      %scan3A_87 = arith.constant 216 : i32
      %run_scoped3A = arith.constant 1 : i32
      "tpu.region"() ({
        %run_scoped3A_88 = tpu.sem_alloc : memref<!tpu.dma_semaphore, #tpu.memory_space<semaphore_mem>>
        %dma_start3A = arith.constant 0 : i32
        %dma_start3A_89 = tpu.memref_slice %arg4[%run_scoped3A, %mul3A_32, %add3A_77, %dma_start3A] : memref<4x64x496x432xf32, #tpu.memory_space<hbm>> -> memref<1x4x8x432xf32, #tpu.memory_space<hbm>>
        %dma_start3A_90 = tpu.memref_squeeze %dma_start3A_89 : memref<1x4x8x432xf32, #tpu.memory_space<hbm>> -> memref<4x8x432xf32, #tpu.memory_space<hbm>>
        %dma_start3A_91 = arith.constant 0 : i32
        %dma_start3A_92 = tpu.memref_slice %arg4[%run_scoped3A, %mul3A_32, %add3A_77, %dma_start3A_91] : memref<4x64x496x432xf32, #tpu.memory_space<hbm>> -> memref<1x4x8x432xf32, #tpu.memory_space<hbm>>
        %dma_start3A_93 = tpu.memref_squeeze %dma_start3A_92 : memref<1x4x8x432xf32, #tpu.memory_space<hbm>> -> memref<4x8x432xf32, #tpu.memory_space<hbm>>
        tpu.enqueue_dma source(%arg7 : memref<4x8x432xf32, #tpu.memory_space<vmem>>) target(%dma_start3A_93 : memref<4x8x432xf32, #tpu.memory_space<hbm>>) target_semaphore(%run_scoped3A_88 : memref<!tpu.dma_semaphore, #tpu.memory_space<semaphore_mem>>)
        %dma_wait3A = arith.constant 0 : i32
        %dma_wait3A_94 = tpu.memref_slice %arg4[%run_scoped3A, %mul3A_32, %add3A_77, %dma_wait3A] : memref<4x64x496x432xf32, #tpu.memory_space<hbm>> -> memref<1x4x8x432xf32, #tpu.memory_space<hbm>>
        %dma_wait3A_95 = tpu.memref_squeeze %dma_wait3A_94 : memref<1x4x8x432xf32, #tpu.memory_space<hbm>> -> memref<4x8x432xf32, #tpu.memory_space<hbm>>
        %dma_wait3A_96 = arith.constant 0 : i32
        %dma_wait3A_97 = tpu.memref_slice %arg4[%run_scoped3A, %mul3A_32, %add3A_77, %dma_wait3A_96] : memref<4x64x496x432xf32, #tpu.memory_space<hbm>> -> memref<1x4x8x432xf32, #tpu.memory_space<hbm>>
        %dma_wait3A_98 = tpu.memref_squeeze %dma_wait3A_97 : memref<1x4x8x432xf32, #tpu.memory_space<hbm>> -> memref<4x8x432xf32, #tpu.memory_space<hbm>>
        tpu.wait_dma2 semaphore(%run_scoped3A_88 : memref<!tpu.dma_semaphore, #tpu.memory_space<semaphore_mem>>) src(%arg7 : memref<4x8x432xf32, #tpu.memory_space<vmem>>) dst(%dma_wait3A_98 : memref<4x8x432xf32, #tpu.memory_space<hbm>>)
        tpu.yield
      }) : () -> ()
    }
    %scan3A_53 = arith.constant 31 : i32
    %add3A_54 = arith.constant 128 : i32
    %add3A_55 = arith.addi %add3A_54, %mul3A_32 : i32
    %mul3A_56 = arith.constant 12000 : i32
    %mul3A_57 = arith.muli %add3A_55, %mul3A_56 : i32
    "tpu.region"() ({
      %run_scoped3A = tpu.sem_alloc : memref<!tpu.dma_semaphore, #tpu.memory_space<semaphore_mem>>
      %dma_start3A = tpu.memref_slice %arg3[%mul3A_57] : memref<3072000xf32, #tpu.memory_space<hbm>> -> memref<48000xf32, #tpu.memory_space<hbm>>
      %dma_start3A_74 = tpu.memref_slice %arg3[%mul3A_57] : memref<3072000xf32, #tpu.memory_space<hbm>> -> memref<48000xf32, #tpu.memory_space<hbm>>
      tpu.enqueue_dma source(%dma_start3A_74 : memref<48000xf32, #tpu.memory_space<hbm>>) target(%arg5 : memref<48000xf32, #tpu.memory_space<vmem>>) target_semaphore(%run_scoped3A : memref<!tpu.dma_semaphore, #tpu.memory_space<semaphore_mem>>)
      %dma_wait3A = tpu.memref_slice %arg3[%mul3A_57] : memref<3072000xf32, #tpu.memory_space<hbm>> -> memref<48000xf32, #tpu.memory_space<hbm>>
      %dma_wait3A_75 = tpu.memref_slice %arg3[%mul3A_57] : memref<3072000xf32, #tpu.memory_space<hbm>> -> memref<48000xf32, #tpu.memory_space<hbm>>
      tpu.wait_dma2 semaphore(%run_scoped3A : memref<!tpu.dma_semaphore, #tpu.memory_space<semaphore_mem>>) src(%dma_wait3A_75 : memref<48000xf32, #tpu.memory_space<hbm>>) dst(%arg5 : memref<48000xf32, #tpu.memory_space<vmem>>)
      tpu.yield
    }) : () -> ()
    %scan3A_58 = arith.constant 0 : i32
    %scan3A_59 = arith.constant 0 : i32
    %scan3A_60 = arith.constant 31 : i32
    %scan3A_61 = arith.addi %scan3A_59, %scan3A_60 : i32
    %scan3A_62 = arith.constant 1 : i32
    scf.for %scan3A_74 = %scan3A_59 to %scan3A_61 step %scan3A_62  : i32 {
      %mul3A_75 = arith.constant 8 : i32
      %mul3A_76 = arith.muli %scan3A_74, %mul3A_75 : i32
      %add3A_77 = arith.addi %mul3A_34, %mul3A_76 : i32
      %mul3A_78 = arith.constant 432 : i32
      %mul3A_79 = arith.muli %add3A_77, %mul3A_78 : i32
      %add3A_80 = arith.constant 428544 : i32
      %add3A_81 = arith.addi %add3A_80, %mul3A_79 : i32
      "tpu.region"() ({
        %run_scoped3A_88 = tpu.sem_alloc : memref<!tpu.dma_semaphore, #tpu.memory_space<semaphore_mem>>
        %dma_start3A = tpu.memref_slice %arg2[%add3A_81] : memref<857088xi32, #tpu.memory_space<hbm>> -> memref<3456xi32, #tpu.memory_space<hbm>>
        %dma_start3A_89 = tpu.memref_slice %arg2[%add3A_81] : memref<857088xi32, #tpu.memory_space<hbm>> -> memref<3456xi32, #tpu.memory_space<hbm>>
        tpu.enqueue_dma source(%dma_start3A_89 : memref<3456xi32, #tpu.memory_space<hbm>>) target(%arg6 : memref<3456xi32, #tpu.memory_space<vmem>>) target_semaphore(%run_scoped3A_88 : memref<!tpu.dma_semaphore, #tpu.memory_space<semaphore_mem>>)
        %dma_wait3A = tpu.memref_slice %arg2[%add3A_81] : memref<857088xi32, #tpu.memory_space<hbm>> -> memref<3456xi32, #tpu.memory_space<hbm>>
        %dma_wait3A_90 = tpu.memref_slice %arg2[%add3A_81] : memref<857088xi32, #tpu.memory_space<hbm>> -> memref<3456xi32, #tpu.memory_space<hbm>>
        tpu.wait_dma2 semaphore(%run_scoped3A_88 : memref<!tpu.dma_semaphore, #tpu.memory_space<semaphore_mem>>) src(%dma_wait3A_90 : memref<3456xi32, #tpu.memory_space<hbm>>) dst(%arg6 : memref<3456xi32, #tpu.memory_space<vmem>>)
        tpu.yield
      }) : () -> ()
      %scan3A_82 = arith.constant 0 : i32
      %scan3A_83 = arith.constant 0 : i32
      %scan3A_84 = arith.constant 216 : i32
      %scan3A_85 = arith.addi %scan3A_83, %scan3A_84 : i32
      %scan3A_86 = arith.constant 1 : i32
      scf.for %scan3A_88 = %scan3A_83 to %scan3A_85 step %scan3A_86  : i32 {
        %jit3A_89 = arith.constant 27 : i32
        %div3A_90 = arith.divsi %scan3A_88, %jit3A_89 : i32
        %sign3A_91 = arith.constant 0 : i32
        %sign3A_92 = arith.cmpi sgt, %scan3A_88, %sign3A_91 : i32
        %sign3A_93 = arith.extui %sign3A_92 : i1 to i32
        %sign3A_94 = arith.constant 0 : i32
        %sign3A_95 = arith.cmpi slt, %scan3A_88, %sign3A_94 : i32
        %sign3A_96 = arith.extui %sign3A_95 : i1 to i32
        %sign3A_97 = arith.subi %sign3A_93, %sign3A_96 : i32
        %sign3A_98 = arith.constant 0 : i32
        %sign3A_99 = arith.cmpi sgt, %jit3A_89, %sign3A_98 : i32
        %sign3A_100 = arith.extui %sign3A_99 : i1 to i32
        %sign3A_101 = arith.constant 0 : i32
        %sign3A_102 = arith.cmpi slt, %jit3A_89, %sign3A_101 : i32
        %sign3A_103 = arith.extui %sign3A_102 : i1 to i32
        %sign3A_104 = arith.subi %sign3A_100, %sign3A_103 : i32
        %ne3A_105 = arith.cmpi ne, %sign3A_97, %sign3A_104 : i32
        %rem3A_106 = arith.remsi %scan3A_88, %jit3A_89 : i32
        %ne3A_107 = arith.constant 0 : i32
        %ne3A_108 = arith.cmpi ne, %rem3A_106, %ne3A_107 : i32
        %and3A_109 = arith.andi %ne3A_105, %ne3A_108 : i1
        %sub3A_110 = arith.constant 1 : i32
        %sub3A_111 = arith.subi %div3A_90, %sub3A_110 : i32
        %select_n3A_112 = arith.select %and3A_109, %sub3A_111, %div3A_90 : i32
        %jit3A_113 = arith.constant 27 : i32
        %eq3A_114 = arith.constant 0 : i32
        %eq3A_115 = arith.cmpi eq, %jit3A_113, %eq3A_114 : i32
        %jit3A_116 = arith.constant 1 : i32
        %select_n3A_117 = arith.select %eq3A_115, %jit3A_116, %jit3A_113 : i32
        %rem3A_118 = arith.remsi %scan3A_88, %select_n3A_117 : i32
        %ne3A_119 = arith.constant 0 : i32
        %ne3A_120 = arith.cmpi ne, %rem3A_118, %ne3A_119 : i32
        %lt3A_121 = arith.constant 0 : i32
        %lt3A_122 = arith.cmpi slt, %rem3A_118, %lt3A_121 : i32
        %lt3A_123 = arith.constant 0 : i32
        %lt3A_124 = arith.cmpi slt, %select_n3A_117, %lt3A_123 : i32
        %ne3A_125 = arith.xori %lt3A_122, %lt3A_124 : i1
        %and3A_126 = arith.andi %ne3A_125, %ne3A_120 : i1
        %add3A_127 = arith.addi %rem3A_118, %select_n3A_117 : i32
        %select_n3A_128 = arith.select %and3A_126, %add3A_127, %rem3A_118 : i32
        %mul3A_129 = arith.constant 16 : i32
        %mul3A_130 = arith.muli %select_n3A_128, %mul3A_129 : i32
        %mul3A_131 = arith.constant 16 : i32
        %mul3A_132 = arith.muli %scan3A_88, %mul3A_131 : i32
        %get3A = arith.index_cast %mul3A_132 : i32 to index
        %get3A_133 = tpu.vector_load %arg6[%get3A] {strides = array<i32>} : memref<3456xi32, #tpu.memory_space<vmem>>, vector<16xi32>,
        %ge3A = arith.constant 0 : i32
        %ge3A_134 = vector.broadcast %ge3A : i32 to vector<16xi32>
        %ge3A_135 = arith.cmpi sge, %get3A_133, %ge3A_134 : vector<16xi32>
        %jit3A_136 = arith.constant 0 : i32
        %broadcast_in_dim3A = vector.broadcast %jit3A_136 : i32 to vector<16xi32>
        %select_n3A_137 = arith.select %ge3A_135, %get3A_133, %broadcast_in_dim3A : vector<16xi1>, vector<16xi32>
        %add3A_138 = arith.constant 0 : i32
        %add3A_139 = vector.broadcast %add3A_138 : i32 to vector<16xi32>
        %add3A_140 = arith.addi %select_n3A_137, %add3A_139 : vector<16xi32>
        %gather3A = tpu.vector_load_idx %arg5[%add3A_140] : memref<48000xf32, #tpu.memory_space<vmem>>[vector<16xi32>], vector<16xf32>,
        %jit3A_141 = arith.constant 0.000000e+00 : f32
        %broadcast_in_dim3A_142 = vector.broadcast %jit3A_141 : f32 to vector<16xf32>
        %select_n3A_143 = arith.select %ge3A_135, %gather3A, %broadcast_in_dim3A_142 : vector<16xi1>, vector<16xf32>
        %swap3A = arith.constant 0 : i32
        %swap3A_144 = arith.index_cast %swap3A : i32 to index
        %swap3A_145 = arith.index_cast %select_n3A_112 : i32 to index
        %swap3A_146 = arith.index_cast %mul3A_130 : i32 to index
        %swap3A_147 = tpu.vector_load %arg7[%swap3A_144, %swap3A_145, %swap3A_146] {strides = array<i32>} : memref<4x8x432xf32, #tpu.memory_space<vmem>>, vector<16xf32>,
        tpu.vector_store %arg7[%swap3A_144, %swap3A_145, %swap3A_146], %select_n3A_143 {strides = array<i32>} : memref<4x8x432xf32, #tpu.memory_space<vmem>>, vector<16xf32>,
        %add3A_148 = arith.constant 12000 : i32
        %add3A_149 = vector.broadcast %add3A_148 : i32 to vector<16xi32>
        %add3A_150 = arith.addi %select_n3A_137, %add3A_149 : vector<16xi32>
        %gather3A_151 = tpu.vector_load_idx %arg5[%add3A_150] : memref<48000xf32, #tpu.memory_space<vmem>>[vector<16xi32>], vector<16xf32>,
        %jit3A_152 = arith.constant 0.000000e+00 : f32
        %broadcast_in_dim3A_153 = vector.broadcast %jit3A_152 : f32 to vector<16xf32>
        %select_n3A_154 = arith.select %ge3A_135, %gather3A_151, %broadcast_in_dim3A_153 : vector<16xi1>, vector<16xf32>
        %swap3A_155 = arith.constant 1 : i32
        %swap3A_156 = arith.index_cast %swap3A_155 : i32 to index
        %swap3A_157 = arith.index_cast %select_n3A_112 : i32 to index
        %swap3A_158 = arith.index_cast %mul3A_130 : i32 to index
        %swap3A_159 = tpu.vector_load %arg7[%swap3A_156, %swap3A_157, %swap3A_158] {strides = array<i32>} : memref<4x8x432xf32, #tpu.memory_space<vmem>>, vector<16xf32>,
        tpu.vector_store %arg7[%swap3A_156, %swap3A_157, %swap3A_158], %select_n3A_154 {strides = array<i32>} : memref<4x8x432xf32, #tpu.memory_space<vmem>>, vector<16xf32>,
        %add3A_160 = arith.constant 24000 : i32
        %add3A_161 = vector.broadcast %add3A_160 : i32 to vector<16xi32>
        %add3A_162 = arith.addi %select_n3A_137, %add3A_161 : vector<16xi32>
        %gather3A_163 = tpu.vector_load_idx %arg5[%add3A_162] : memref<48000xf32, #tpu.memory_space<vmem>>[vector<16xi32>], vector<16xf32>,
        %jit3A_164 = arith.constant 0.000000e+00 : f32
        %broadcast_in_dim3A_165 = vector.broadcast %jit3A_164 : f32 to vector<16xf32>
        %select_n3A_166 = arith.select %ge3A_135, %gather3A_163, %broadcast_in_dim3A_165 : vector<16xi1>, vector<16xf32>
        %swap3A_167 = arith.constant 2 : i32
        %swap3A_168 = arith.index_cast %swap3A_167 : i32 to index
        %swap3A_169 = arith.index_cast %select_n3A_112 : i32 to index
        %swap3A_170 = arith.index_cast %mul3A_130 : i32 to index
        %swap3A_171 = tpu.vector_load %arg7[%swap3A_168, %swap3A_169, %swap3A_170] {strides = array<i32>} : memref<4x8x432xf32, #tpu.memory_space<vmem>>, vector<16xf32>,
        tpu.vector_store %arg7[%swap3A_168, %swap3A_169, %swap3A_170], %select_n3A_166 {strides = array<i32>} : memref<4x8x432xf32, #tpu.memory_space<vmem>>, vector<16xf32>,
        %add3A_172 = arith.constant 36000 : i32
        %add3A_173 = vector.broadcast %add3A_172 : i32 to vector<16xi32>
        %add3A_174 = arith.addi %select_n3A_137, %add3A_173 : vector<16xi32>
        %gather3A_175 = tpu.vector_load_idx %arg5[%add3A_174] : memref<48000xf32, #tpu.memory_space<vmem>>[vector<16xi32>], vector<16xf32>,
        %jit3A_176 = arith.constant 0.000000e+00 : f32
        %broadcast_in_dim3A_177 = vector.broadcast %jit3A_176 : f32 to vector<16xf32>
        %select_n3A_178 = arith.select %ge3A_135, %gather3A_175, %broadcast_in_dim3A_177 : vector<16xi1>, vector<16xf32>
        %swap3A_179 = arith.constant 3 : i32
        %swap3A_180 = arith.index_cast %swap3A_179 : i32 to index
        %swap3A_181 = arith.index_cast %select_n3A_112 : i32 to index
        %swap3A_182 = arith.index_cast %mul3A_130 : i32 to index
        %swap3A_183 = tpu.vector_load %arg7[%swap3A_180, %swap3A_181, %swap3A_182] {strides = array<i32>} : memref<4x8x432xf32, #tpu.memory_space<vmem>>, vector<16xf32>,
        tpu.vector_store %arg7[%swap3A_180, %swap3A_181, %swap3A_182], %select_n3A_178 {strides = array<i32>} : memref<4x8x432xf32, #tpu.memory_space<vmem>>, vector<16xf32>,
      }
      %scan3A_87 = arith.constant 216 : i32
      %run_scoped3A = arith.constant 2 : i32
      "tpu.region"() ({
        %run_scoped3A_88 = tpu.sem_alloc : memref<!tpu.dma_semaphore, #tpu.memory_space<semaphore_mem>>
        %dma_start3A = arith.constant 0 : i32
        %dma_start3A_89 = tpu.memref_slice %arg4[%run_scoped3A, %mul3A_32, %add3A_77, %dma_start3A] : memref<4x64x496x432xf32, #tpu.memory_space<hbm>> -> memref<1x4x8x432xf32, #tpu.memory_space<hbm>>
        %dma_start3A_90 = tpu.memref_squeeze %dma_start3A_89 : memref<1x4x8x432xf32, #tpu.memory_space<hbm>> -> memref<4x8x432xf32, #tpu.memory_space<hbm>>
        %dma_start3A_91 = arith.constant 0 : i32
        %dma_start3A_92 = tpu.memref_slice %arg4[%run_scoped3A, %mul3A_32, %add3A_77, %dma_start3A_91] : memref<4x64x496x432xf32, #tpu.memory_space<hbm>> -> memref<1x4x8x432xf32, #tpu.memory_space<hbm>>
        %dma_start3A_93 = tpu.memref_squeeze %dma_start3A_92 : memref<1x4x8x432xf32, #tpu.memory_space<hbm>> -> memref<4x8x432xf32, #tpu.memory_space<hbm>>
        tpu.enqueue_dma source(%arg7 : memref<4x8x432xf32, #tpu.memory_space<vmem>>) target(%dma_start3A_93 : memref<4x8x432xf32, #tpu.memory_space<hbm>>) target_semaphore(%run_scoped3A_88 : memref<!tpu.dma_semaphore, #tpu.memory_space<semaphore_mem>>)
        %dma_wait3A = arith.constant 0 : i32
        %dma_wait3A_94 = tpu.memref_slice %arg4[%run_scoped3A, %mul3A_32, %add3A_77, %dma_wait3A] : memref<4x64x496x432xf32, #tpu.memory_space<hbm>> -> memref<1x4x8x432xf32, #tpu.memory_space<hbm>>
        %dma_wait3A_95 = tpu.memref_squeeze %dma_wait3A_94 : memref<1x4x8x432xf32, #tpu.memory_space<hbm>> -> memref<4x8x432xf32, #tpu.memory_space<hbm>>
        %dma_wait3A_96 = arith.constant 0 : i32
        %dma_wait3A_97 = tpu.memref_slice %arg4[%run_scoped3A, %mul3A_32, %add3A_77, %dma_wait3A_96] : memref<4x64x496x432xf32, #tpu.memory_space<hbm>> -> memref<1x4x8x432xf32, #tpu.memory_space<hbm>>
        %dma_wait3A_98 = tpu.memref_squeeze %dma_wait3A_97 : memref<1x4x8x432xf32, #tpu.memory_space<hbm>> -> memref<4x8x432xf32, #tpu.memory_space<hbm>>
        tpu.wait_dma2 semaphore(%run_scoped3A_88 : memref<!tpu.dma_semaphore, #tpu.memory_space<semaphore_mem>>) src(%arg7 : memref<4x8x432xf32, #tpu.memory_space<vmem>>) dst(%dma_wait3A_98 : memref<4x8x432xf32, #tpu.memory_space<hbm>>)
        tpu.yield
      }) : () -> ()
    }
    %scan3A_63 = arith.constant 31 : i32
    %add3A_64 = arith.constant 192 : i32
    %add3A_65 = arith.addi %add3A_64, %mul3A_32 : i32
    %mul3A_66 = arith.constant 12000 : i32
    %mul3A_67 = arith.muli %add3A_65, %mul3A_66 : i32
    "tpu.region"() ({
      %run_scoped3A = tpu.sem_alloc : memref<!tpu.dma_semaphore, #tpu.memory_space<semaphore_mem>>
      %dma_start3A = tpu.memref_slice %arg3[%mul3A_67] : memref<3072000xf32, #tpu.memory_space<hbm>> -> memref<48000xf32, #tpu.memory_space<hbm>>
      %dma_start3A_74 = tpu.memref_slice %arg3[%mul3A_67] : memref<3072000xf32, #tpu.memory_space<hbm>> -> memref<48000xf32, #tpu.memory_space<hbm>>
      tpu.enqueue_dma source(%dma_start3A_74 : memref<48000xf32, #tpu.memory_space<hbm>>) target(%arg5 : memref<48000xf32, #tpu.memory_space<vmem>>) target_semaphore(%run_scoped3A : memref<!tpu.dma_semaphore, #tpu.memory_space<semaphore_mem>>)
      %dma_wait3A = tpu.memref_slice %arg3[%mul3A_67] : memref<3072000xf32, #tpu.memory_space<hbm>> -> memref<48000xf32, #tpu.memory_space<hbm>>
      %dma_wait3A_75 = tpu.memref_slice %arg3[%mul3A_67] : memref<3072000xf32, #tpu.memory_space<hbm>> -> memref<48000xf32, #tpu.memory_space<hbm>>
      tpu.wait_dma2 semaphore(%run_scoped3A : memref<!tpu.dma_semaphore, #tpu.memory_space<semaphore_mem>>) src(%dma_wait3A_75 : memref<48000xf32, #tpu.memory_space<hbm>>) dst(%arg5 : memref<48000xf32, #tpu.memory_space<vmem>>)
      tpu.yield
    }) : () -> ()
    %scan3A_68 = arith.constant 0 : i32
    %scan3A_69 = arith.constant 0 : i32
    %scan3A_70 = arith.constant 31 : i32
    %scan3A_71 = arith.addi %scan3A_69, %scan3A_70 : i32
    %scan3A_72 = arith.constant 1 : i32
    scf.for %scan3A_74 = %scan3A_69 to %scan3A_71 step %scan3A_72  : i32 {
      %mul3A_75 = arith.constant 8 : i32
      %mul3A_76 = arith.muli %scan3A_74, %mul3A_75 : i32
      %add3A_77 = arith.addi %mul3A_34, %mul3A_76 : i32
      %mul3A_78 = arith.constant 432 : i32
      %mul3A_79 = arith.muli %add3A_77, %mul3A_78 : i32
      %add3A_80 = arith.constant 642816 : i32
      %add3A_81 = arith.addi %add3A_80, %mul3A_79 : i32
      "tpu.region"() ({
        %run_scoped3A_88 = tpu.sem_alloc : memref<!tpu.dma_semaphore, #tpu.memory_space<semaphore_mem>>
        %dma_start3A = tpu.memref_slice %arg2[%add3A_81] : memref<857088xi32, #tpu.memory_space<hbm>> -> memref<3456xi32, #tpu.memory_space<hbm>>
        %dma_start3A_89 = tpu.memref_slice %arg2[%add3A_81] : memref<857088xi32, #tpu.memory_space<hbm>> -> memref<3456xi32, #tpu.memory_space<hbm>>
        tpu.enqueue_dma source(%dma_start3A_89 : memref<3456xi32, #tpu.memory_space<hbm>>) target(%arg6 : memref<3456xi32, #tpu.memory_space<vmem>>) target_semaphore(%run_scoped3A_88 : memref<!tpu.dma_semaphore, #tpu.memory_space<semaphore_mem>>)
        %dma_wait3A = tpu.memref_slice %arg2[%add3A_81] : memref<857088xi32, #tpu.memory_space<hbm>> -> memref<3456xi32, #tpu.memory_space<hbm>>
        %dma_wait3A_90 = tpu.memref_slice %arg2[%add3A_81] : memref<857088xi32, #tpu.memory_space<hbm>> -> memref<3456xi32, #tpu.memory_space<hbm>>
        tpu.wait_dma2 semaphore(%run_scoped3A_88 : memref<!tpu.dma_semaphore, #tpu.memory_space<semaphore_mem>>) src(%dma_wait3A_90 : memref<3456xi32, #tpu.memory_space<hbm>>) dst(%arg6 : memref<3456xi32, #tpu.memory_space<vmem>>)
        tpu.yield
      }) : () -> ()
      %scan3A_82 = arith.constant 0 : i32
      %scan3A_83 = arith.constant 0 : i32
      %scan3A_84 = arith.constant 216 : i32
      %scan3A_85 = arith.addi %scan3A_83, %scan3A_84 : i32
      %scan3A_86 = arith.constant 1 : i32
      scf.for %scan3A_88 = %scan3A_83 to %scan3A_85 step %scan3A_86  : i32 {
        %jit3A_89 = arith.constant 27 : i32
        %div3A_90 = arith.divsi %scan3A_88, %jit3A_89 : i32
        %sign3A_91 = arith.constant 0 : i32
        %sign3A_92 = arith.cmpi sgt, %scan3A_88, %sign3A_91 : i32
        %sign3A_93 = arith.extui %sign3A_92 : i1 to i32
        %sign3A_94 = arith.constant 0 : i32
        %sign3A_95 = arith.cmpi slt, %scan3A_88, %sign3A_94 : i32
        %sign3A_96 = arith.extui %sign3A_95 : i1 to i32
        %sign3A_97 = arith.subi %sign3A_93, %sign3A_96 : i32
        %sign3A_98 = arith.constant 0 : i32
        %sign3A_99 = arith.cmpi sgt, %jit3A_89, %sign3A_98 : i32
        %sign3A_100 = arith.extui %sign3A_99 : i1 to i32
        %sign3A_101 = arith.constant 0 : i32
        %sign3A_102 = arith.cmpi slt, %jit3A_89, %sign3A_101 : i32
        %sign3A_103 = arith.extui %sign3A_102 : i1 to i32
        %sign3A_104 = arith.subi %sign3A_100, %sign3A_103 : i32
        %ne3A_105 = arith.cmpi ne, %sign3A_97, %sign3A_104 : i32
        %rem3A_106 = arith.remsi %scan3A_88, %jit3A_89 : i32
        %ne3A_107 = arith.constant 0 : i32
        %ne3A_108 = arith.cmpi ne, %rem3A_106, %ne3A_107 : i32
        %and3A_109 = arith.andi %ne3A_105, %ne3A_108 : i1
        %sub3A_110 = arith.constant 1 : i32
        %sub3A_111 = arith.subi %div3A_90, %sub3A_110 : i32
        %select_n3A_112 = arith.select %and3A_109, %sub3A_111, %div3A_90 : i32
        %jit3A_113 = arith.constant 27 : i32
        %eq3A_114 = arith.constant 0 : i32
        %eq3A_115 = arith.cmpi eq, %jit3A_113, %eq3A_114 : i32
        %jit3A_116 = arith.constant 1 : i32
        %select_n3A_117 = arith.select %eq3A_115, %jit3A_116, %jit3A_113 : i32
        %rem3A_118 = arith.remsi %scan3A_88, %select_n3A_117 : i32
        %ne3A_119 = arith.constant 0 : i32
        %ne3A_120 = arith.cmpi ne, %rem3A_118, %ne3A_119 : i32
        %lt3A_121 = arith.constant 0 : i32
        %lt3A_122 = arith.cmpi slt, %rem3A_118, %lt3A_121 : i32
        %lt3A_123 = arith.constant 0 : i32
        %lt3A_124 = arith.cmpi slt, %select_n3A_117, %lt3A_123 : i32
        %ne3A_125 = arith.xori %lt3A_122, %lt3A_124 : i1
        %and3A_126 = arith.andi %ne3A_125, %ne3A_120 : i1
        %add3A_127 = arith.addi %rem3A_118, %select_n3A_117 : i32
        %select_n3A_128 = arith.select %and3A_126, %add3A_127, %rem3A_118 : i32
        %mul3A_129 = arith.constant 16 : i32
        %mul3A_130 = arith.muli %select_n3A_128, %mul3A_129 : i32
        %mul3A_131 = arith.constant 16 : i32
        %mul3A_132 = arith.muli %scan3A_88, %mul3A_131 : i32
        %get3A = arith.index_cast %mul3A_132 : i32 to index
        %get3A_133 = tpu.vector_load %arg6[%get3A] {strides = array<i32>} : memref<3456xi32, #tpu.memory_space<vmem>>, vector<16xi32>,
        %ge3A = arith.constant 0 : i32
        %ge3A_134 = vector.broadcast %ge3A : i32 to vector<16xi32>
        %ge3A_135 = arith.cmpi sge, %get3A_133, %ge3A_134 : vector<16xi32>
        %jit3A_136 = arith.constant 0 : i32
        %broadcast_in_dim3A = vector.broadcast %jit3A_136 : i32 to vector<16xi32>
        %select_n3A_137 = arith.select %ge3A_135, %get3A_133, %broadcast_in_dim3A : vector<16xi1>, vector<16xi32>
        %add3A_138 = arith.constant 0 : i32
        %add3A_139 = vector.broadcast %add3A_138 : i32 to vector<16xi32>
        %add3A_140 = arith.addi %select_n3A_137, %add3A_139 : vector<16xi32>
        %gather3A = tpu.vector_load_idx %arg5[%add3A_140] : memref<48000xf32, #tpu.memory_space<vmem>>[vector<16xi32>], vector<16xf32>,
        %jit3A_141 = arith.constant 0.000000e+00 : f32
        %broadcast_in_dim3A_142 = vector.broadcast %jit3A_141 : f32 to vector<16xf32>
        %select_n3A_143 = arith.select %ge3A_135, %gather3A, %broadcast_in_dim3A_142 : vector<16xi1>, vector<16xf32>
        %swap3A = arith.constant 0 : i32
        %swap3A_144 = arith.index_cast %swap3A : i32 to index
        %swap3A_145 = arith.index_cast %select_n3A_112 : i32 to index
        %swap3A_146 = arith.index_cast %mul3A_130 : i32 to index
        %swap3A_147 = tpu.vector_load %arg7[%swap3A_144, %swap3A_145, %swap3A_146] {strides = array<i32>} : memref<4x8x432xf32, #tpu.memory_space<vmem>>, vector<16xf32>,
        tpu.vector_store %arg7[%swap3A_144, %swap3A_145, %swap3A_146], %select_n3A_143 {strides = array<i32>} : memref<4x8x432xf32, #tpu.memory_space<vmem>>, vector<16xf32>,
        %add3A_148 = arith.constant 12000 : i32
        %add3A_149 = vector.broadcast %add3A_148 : i32 to vector<16xi32>
        %add3A_150 = arith.addi %select_n3A_137, %add3A_149 : vector<16xi32>
        %gather3A_151 = tpu.vector_load_idx %arg5[%add3A_150] : memref<48000xf32, #tpu.memory_space<vmem>>[vector<16xi32>], vector<16xf32>,
        %jit3A_152 = arith.constant 0.000000e+00 : f32
        %broadcast_in_dim3A_153 = vector.broadcast %jit3A_152 : f32 to vector<16xf32>
        %select_n3A_154 = arith.select %ge3A_135, %gather3A_151, %broadcast_in_dim3A_153 : vector<16xi1>, vector<16xf32>
        %swap3A_155 = arith.constant 1 : i32
        %swap3A_156 = arith.index_cast %swap3A_155 : i32 to index
        %swap3A_157 = arith.index_cast %select_n3A_112 : i32 to index
        %swap3A_158 = arith.index_cast %mul3A_130 : i32 to index
        %swap3A_159 = tpu.vector_load %arg7[%swap3A_156, %swap3A_157, %swap3A_158] {strides = array<i32>} : memref<4x8x432xf32, #tpu.memory_space<vmem>>, vector<16xf32>,
        tpu.vector_store %arg7[%swap3A_156, %swap3A_157, %swap3A_158], %select_n3A_154 {strides = array<i32>} : memref<4x8x432xf32, #tpu.memory_space<vmem>>, vector<16xf32>,
        %add3A_160 = arith.constant 24000 : i32
        %add3A_161 = vector.broadcast %add3A_160 : i32 to vector<16xi32>
        %add3A_162 = arith.addi %select_n3A_137, %add3A_161 : vector<16xi32>
        %gather3A_163 = tpu.vector_load_idx %arg5[%add3A_162] : memref<48000xf32, #tpu.memory_space<vmem>>[vector<16xi32>], vector<16xf32>,
        %jit3A_164 = arith.constant 0.000000e+00 : f32
        %broadcast_in_dim3A_165 = vector.broadcast %jit3A_164 : f32 to vector<16xf32>
        %select_n3A_166 = arith.select %ge3A_135, %gather3A_163, %broadcast_in_dim3A_165 : vector<16xi1>, vector<16xf32>
        %swap3A_167 = arith.constant 2 : i32
        %swap3A_168 = arith.index_cast %swap3A_167 : i32 to index
        %swap3A_169 = arith.index_cast %select_n3A_112 : i32 to index
        %swap3A_170 = arith.index_cast %mul3A_130 : i32 to index
        %swap3A_171 = tpu.vector_load %arg7[%swap3A_168, %swap3A_169, %swap3A_170] {strides = array<i32>} : memref<4x8x432xf32, #tpu.memory_space<vmem>>, vector<16xf32>,
        tpu.vector_store %arg7[%swap3A_168, %swap3A_169, %swap3A_170], %select_n3A_166 {strides = array<i32>} : memref<4x8x432xf32, #tpu.memory_space<vmem>>, vector<16xf32>,
        %add3A_172 = arith.constant 36000 : i32
        %add3A_173 = vector.broadcast %add3A_172 : i32 to vector<16xi32>
        %add3A_174 = arith.addi %select_n3A_137, %add3A_173 : vector<16xi32>
        %gather3A_175 = tpu.vector_load_idx %arg5[%add3A_174] : memref<48000xf32, #tpu.memory_space<vmem>>[vector<16xi32>], vector<16xf32>,
        %jit3A_176 = arith.constant 0.000000e+00 : f32
        %broadcast_in_dim3A_177 = vector.broadcast %jit3A_176 : f32 to vector<16xf32>
        %select_n3A_178 = arith.select %ge3A_135, %gather3A_175, %broadcast_in_dim3A_177 : vector<16xi1>, vector<16xf32>
        %swap3A_179 = arith.constant 3 : i32
        %swap3A_180 = arith.index_cast %swap3A_179 : i32 to index
        %swap3A_181 = arith.index_cast %select_n3A_112 : i32 to index
        %swap3A_182 = arith.index_cast %mul3A_130 : i32 to index
        %swap3A_183 = tpu.vector_load %arg7[%swap3A_180, %swap3A_181, %swap3A_182] {strides = array<i32>} : memref<4x8x432xf32, #tpu.memory_space<vmem>>, vector<16xf32>,
        tpu.vector_store %arg7[%swap3A_180, %swap3A_181, %swap3A_182], %select_n3A_178 {strides = array<i32>} : memref<4x8x432xf32, #tpu.memory_space<vmem>>, vector<16xf32>,
      }
      %scan3A_87 = arith.constant 216 : i32
      %run_scoped3A = arith.constant 3 : i32
      "tpu.region"() ({
        %run_scoped3A_88 = tpu.sem_alloc : memref<!tpu.dma_semaphore, #tpu.memory_space<semaphore_mem>>
        %dma_start3A = arith.constant 0 : i32
        %dma_start3A_89 = tpu.memref_slice %arg4[%run_scoped3A, %mul3A_32, %add3A_77, %dma_start3A] : memref<4x64x496x432xf32, #tpu.memory_space<hbm>> -> memref<1x4x8x432xf32, #tpu.memory_space<hbm>>
        %dma_start3A_90 = tpu.memref_squeeze %dma_start3A_89 : memref<1x4x8x432xf32, #tpu.memory_space<hbm>> -> memref<4x8x432xf32, #tpu.memory_space<hbm>>
        %dma_start3A_91 = arith.constant 0 : i32
        %dma_start3A_92 = tpu.memref_slice %arg4[%run_scoped3A, %mul3A_32, %add3A_77, %dma_start3A_91] : memref<4x64x496x432xf32, #tpu.memory_space<hbm>> -> memref<1x4x8x432xf32, #tpu.memory_space<hbm>>
        %dma_start3A_93 = tpu.memref_squeeze %dma_start3A_92 : memref<1x4x8x432xf32, #tpu.memory_space<hbm>> -> memref<4x8x432xf32, #tpu.memory_space<hbm>>
        tpu.enqueue_dma source(%arg7 : memref<4x8x432xf32, #tpu.memory_space<vmem>>) target(%dma_start3A_93 : memref<4x8x432xf32, #tpu.memory_space<hbm>>) target_semaphore(%run_scoped3A_88 : memref<!tpu.dma_semaphore, #tpu.memory_space<semaphore_mem>>)
        %dma_wait3A = arith.constant 0 : i32
        %dma_wait3A_94 = tpu.memref_slice %arg4[%run_scoped3A, %mul3A_32, %add3A_77, %dma_wait3A] : memref<4x64x496x432xf32, #tpu.memory_space<hbm>> -> memref<1x4x8x432xf32, #tpu.memory_space<hbm>>
        %dma_wait3A_95 = tpu.memref_squeeze %dma_wait3A_94 : memref<1x4x8x432xf32, #tpu.memory_space<hbm>> -> memref<4x8x432xf32, #tpu.memory_space<hbm>>
        %dma_wait3A_96 = arith.constant 0 : i32
        %dma_wait3A_97 = tpu.memref_slice %arg4[%run_scoped3A, %mul3A_32, %add3A_77, %dma_wait3A_96] : memref<4x64x496x432xf32, #tpu.memory_space<hbm>> -> memref<1x4x8x432xf32, #tpu.memory_space<hbm>>
        %dma_wait3A_98 = tpu.memref_squeeze %dma_wait3A_97 : memref<1x4x8x432xf32, #tpu.memory_space<hbm>> -> memref<4x8x432xf32, #tpu.memory_space<hbm>>
        tpu.wait_dma2 semaphore(%run_scoped3A_88 : memref<!tpu.dma_semaphore, #tpu.memory_space<semaphore_mem>>) src(%arg7 : memref<4x8x432xf32, #tpu.memory_space<vmem>>) dst(%dma_wait3A_98 : memref<4x8x432xf32, #tpu.memory_space<hbm>>)
        tpu.yield
      }) : () -> ()
    }
    %scan3A_73 = arith.constant 31 : i32
    return
  }
}

#map = affine_map<(d0, d1) -> (0)>
module attributes {stable_mosaic.version = 14 : i64} {
  func.func @k(%arg0: i32, %arg1: i32, %arg2: memref<48000xi32, #tpu.memory_space<hbm>>, %arg3: memref<857088xi32, #tpu.memory_space<hbm>>, %arg4: memref<12000xi32, #tpu.memory_space<vmem>>, %arg5: memref<6784xi32, #tpu.memory_space<vmem>>) attributes {dimension_semantics = [#tpu.dimension_semantics<core_parallel>, #tpu.dimension_semantics<subcore_parallel>], iteration_bounds = array<i64: 2, 16>, scalar_prefetch = 0 : i64, scratch_operands = 2 : i64, tpu.core_type = #tpu.core_type<sc_vector_subcore>, window_params = [{transform_indices = #map}, {transform_indices = #map}]} {
    %mul3A = arith.constant 2 : i32
    %mul3A_0 = arith.muli %arg1, %mul3A : i32
    %add3A = arith.addi %mul3A_0, %arg0 : i32
    %mul3A_1 = arith.constant 6696 : i32
    %mul3A_2 = arith.muli %add3A, %mul3A_1 : i32
    %iota3A = tpu.iota {dimensions = array<i32: 0>} : vector<16xi32>
    "tpu.region"() ({
      %run_scoped3A = tpu.sem_alloc : memref<!tpu.dma_semaphore, #tpu.memory_space<semaphore_mem>>
      %dma_start3A = arith.constant 0 : i32
      %dma_start3A_58 = tpu.memref_slice %arg2[%dma_start3A] : memref<48000xi32, #tpu.memory_space<hbm>> -> memref<12000xi32, #tpu.memory_space<hbm>>
      %dma_start3A_59 = arith.constant 0 : i32
      %dma_start3A_60 = tpu.memref_slice %arg2[%dma_start3A_59] : memref<48000xi32, #tpu.memory_space<hbm>> -> memref<12000xi32, #tpu.memory_space<hbm>>
      tpu.enqueue_dma source(%dma_start3A_60 : memref<12000xi32, #tpu.memory_space<hbm>>) target(%arg4 : memref<12000xi32, #tpu.memory_space<vmem>>) target_semaphore(%run_scoped3A : memref<!tpu.dma_semaphore, #tpu.memory_space<semaphore_mem>>)
      %dma_wait3A = arith.constant 0 : i32
      %dma_wait3A_61 = tpu.memref_slice %arg2[%dma_wait3A] : memref<48000xi32, #tpu.memory_space<hbm>> -> memref<12000xi32, #tpu.memory_space<hbm>>
      %dma_wait3A_62 = arith.constant 0 : i32
      %dma_wait3A_63 = tpu.memref_slice %arg2[%dma_wait3A_62] : memref<48000xi32, #tpu.memory_space<hbm>> -> memref<12000xi32, #tpu.memory_space<hbm>>
      tpu.wait_dma2 semaphore(%run_scoped3A : memref<!tpu.dma_semaphore, #tpu.memory_space<semaphore_mem>>) src(%dma_wait3A_63 : memref<12000xi32, #tpu.memory_space<hbm>>) dst(%arg4 : memref<12000xi32, #tpu.memory_space<vmem>>)
      tpu.yield
    }) : () -> ()
    %scan3A = arith.constant 0 : i32
    %scan3A_3 = arith.constant 0 : i32
    %scan3A_4 = arith.constant 424 : i32
    %scan3A_5 = arith.addi %scan3A_3, %scan3A_4 : i32
    %scan3A_6 = arith.constant 1 : i32
    scf.for %scan3A_58 = %scan3A_3 to %scan3A_5 step %scan3A_6  : i32 {
      %broadcast_in_dim3A = arith.constant -1 : i32
      %broadcast_in_dim3A_59 = vector.broadcast %broadcast_in_dim3A : i32 to vector<16xi32>
      %mul3A_60 = arith.constant 16 : i32
      %mul3A_61 = arith.muli %scan3A_58, %mul3A_60 : i32
      %swap3A = arith.index_cast %mul3A_61 : i32 to index
      %swap3A_62 = tpu.vector_load %arg5[%swap3A] {strides = array<i32>} : memref<6784xi32, #tpu.memory_space<vmem>>, vector<16xi32>,
      tpu.vector_store %arg5[%swap3A], %broadcast_in_dim3A_59 {strides = array<i32>} : memref<6784xi32, #tpu.memory_space<vmem>>, vector<16xi32>,
    }
    %scan3A_7 = arith.constant 424 : i32
    %scan3A_8 = arith.constant 0 : i32
    %scan3A_9 = arith.constant 0 : i32
    %scan3A_10 = arith.constant 750 : i32
    %scan3A_11 = arith.addi %scan3A_9, %scan3A_10 : i32
    %scan3A_12 = arith.constant 1 : i32
    scf.for %scan3A_58 = %scan3A_9 to %scan3A_11 step %scan3A_12  : i32 {
      %mul3A_59 = arith.constant 16 : i32
      %mul3A_60 = arith.muli %scan3A_58, %mul3A_59 : i32
      %get3A = arith.index_cast %mul3A_60 : i32 to index
      %get3A_61 = tpu.vector_load %arg4[%get3A] {strides = array<i32>} : memref<12000xi32, #tpu.memory_space<vmem>>, vector<16xi32>,
      %sub3A = vector.broadcast %mul3A_2 : i32 to vector<16xi32>
      %sub3A_62 = arith.subi %get3A_61, %sub3A : vector<16xi32>
      %mul3A_63 = arith.constant 16 : i32
      %mul3A_64 = arith.muli %scan3A_58, %mul3A_63 : i32
      %add3A_65 = vector.broadcast %mul3A_64 : i32 to vector<16xi32>
      %add3A_66 = arith.addi %add3A_65, %iota3A : vector<16xi32>
      %ge3A = vector.broadcast %mul3A_2 : i32 to vector<16xi32>
      %ge3A_67 = arith.cmpi sge, %get3A_61, %ge3A : vector<16xi32>
      %add3A_68 = arith.constant 6696 : i32
      %add3A_69 = arith.addi %mul3A_2, %add3A_68 : i32
      %lt3A = vector.broadcast %add3A_69 : i32 to vector<16xi32>
      %lt3A_70 = arith.cmpi slt, %get3A_61, %lt3A : vector<16xi32>
      %and3A = arith.andi %ge3A_67, %lt3A_70 : vector<16xi1>
      %jit3A = arith.constant 0 : i32
      %broadcast_in_dim3A = vector.broadcast %jit3A : i32 to vector<16xi32>
      %select_n3A = arith.select %and3A, %sub3A_62, %broadcast_in_dim3A : vector<16xi1>, vector<16xi32>
      tpu.vector_store_idx %arg5[%select_n3A], %add3A_66 masked %and3A : memref<6784xi32, #tpu.memory_space<vmem>>[vector<16xi32>], vector<16xi32>, vector<16xi1>
      %gather3A = tpu.vector_load_idx %arg5[%select_n3A] masked %and3A : memref<6784xi32, #tpu.memory_space<vmem>>[vector<16xi32>], vector<16xi32>, vector<16xi1>
      %lt3A_71 = arith.cmpi slt, %gather3A, %add3A_66 : vector<16xi32>
      %and3A_72 = arith.andi %and3A, %lt3A_71 : vector<16xi1>
      tpu.vector_store_idx %arg5[%select_n3A], %add3A_66 masked %and3A_72 : memref<6784xi32, #tpu.memory_space<vmem>>[vector<16xi32>], vector<16xi32>, vector<16xi1>
      %gather3A_73 = tpu.vector_load_idx %arg5[%select_n3A] masked %and3A_72 : memref<6784xi32, #tpu.memory_space<vmem>>[vector<16xi32>], vector<16xi32>, vector<16xi1>
      %lt3A_74 = arith.cmpi slt, %gather3A_73, %add3A_66 : vector<16xi32>
      %and3A_75 = arith.andi %and3A_72, %lt3A_74 : vector<16xi1>
      tpu.vector_store_idx %arg5[%select_n3A], %add3A_66 masked %and3A_75 : memref<6784xi32, #tpu.memory_space<vmem>>[vector<16xi32>], vector<16xi32>, vector<16xi1>
    }
    %scan3A_13 = arith.constant 750 : i32
    %add3A_14 = arith.constant 0 : i32
    %add3A_15 = arith.addi %add3A_14, %mul3A_2 : i32
    "tpu.region"() ({
      %run_scoped3A = tpu.sem_alloc : memref<!tpu.dma_semaphore, #tpu.memory_space<semaphore_mem>>
      %dma_start3A = arith.constant 0 : i32
      %dma_start3A_58 = tpu.memref_slice %arg5[%dma_start3A] : memref<6784xi32, #tpu.memory_space<vmem>> -> memref<6696xi32, #tpu.memory_space<vmem>>
      %dma_start3A_59 = tpu.memref_slice %arg3[%add3A_15] : memref<857088xi32, #tpu.memory_space<hbm>> -> memref<6696xi32, #tpu.memory_space<hbm>>
      %dma_start3A_60 = tpu.memref_slice %arg3[%add3A_15] : memref<857088xi32, #tpu.memory_space<hbm>> -> memref<6696xi32, #tpu.memory_space<hbm>>
      %dma_start3A_61 = arith.constant 0 : i32
      %dma_start3A_62 = tpu.memref_slice %arg5[%dma_start3A_61] : memref<6784xi32, #tpu.memory_space<vmem>> -> memref<6696xi32, #tpu.memory_space<vmem>>
      tpu.enqueue_dma source(%dma_start3A_62 : memref<6696xi32, #tpu.memory_space<vmem>>) target(%dma_start3A_60 : memref<6696xi32, #tpu.memory_space<hbm>>) target_semaphore(%run_scoped3A : memref<!tpu.dma_semaphore, #tpu.memory_space<semaphore_mem>>)
      %dma_wait3A = arith.constant 0 : i32
      %dma_wait3A_63 = tpu.memref_slice %arg5[%dma_wait3A] : memref<6784xi32, #tpu.memory_space<vmem>> -> memref<6696xi32, #tpu.memory_space<vmem>>
      %dma_wait3A_64 = tpu.memref_slice %arg3[%add3A_15] : memref<857088xi32, #tpu.memory_space<hbm>> -> memref<6696xi32, #tpu.memory_space<hbm>>
      %dma_wait3A_65 = tpu.memref_slice %arg3[%add3A_15] : memref<857088xi32, #tpu.memory_space<hbm>> -> memref<6696xi32, #tpu.memory_space<hbm>>
      %dma_wait3A_66 = arith.constant 0 : i32
      %dma_wait3A_67 = tpu.memref_slice %arg5[%dma_wait3A_66] : memref<6784xi32, #tpu.memory_space<vmem>> -> memref<6696xi32, #tpu.memory_space<vmem>>
      tpu.wait_dma2 semaphore(%run_scoped3A : memref<!tpu.dma_semaphore, #tpu.memory_space<semaphore_mem>>) src(%dma_wait3A_67 : memref<6696xi32, #tpu.memory_space<vmem>>) dst(%dma_wait3A_65 : memref<6696xi32, #tpu.memory_space<hbm>>)
      tpu.yield
    }) : () -> ()
    "tpu.region"() ({
      %run_scoped3A = tpu.sem_alloc : memref<!tpu.dma_semaphore, #tpu.memory_space<semaphore_mem>>
      %dma_start3A = arith.constant 12000 : i32
      %dma_start3A_58 = tpu.memref_slice %arg2[%dma_start3A] : memref<48000xi32, #tpu.memory_space<hbm>> -> memref<12000xi32, #tpu.memory_space<hbm>>
      %dma_start3A_59 = arith.constant 12000 : i32
      %dma_start3A_60 = tpu.memref_slice %arg2[%dma_start3A_59] : memref<48000xi32, #tpu.memory_space<hbm>> -> memref<12000xi32, #tpu.memory_space<hbm>>
      tpu.enqueue_dma source(%dma_start3A_60 : memref<12000xi32, #tpu.memory_space<hbm>>) target(%arg4 : memref<12000xi32, #tpu.memory_space<vmem>>) target_semaphore(%run_scoped3A : memref<!tpu.dma_semaphore, #tpu.memory_space<semaphore_mem>>)
      %dma_wait3A = arith.constant 12000 : i32
      %dma_wait3A_61 = tpu.memref_slice %arg2[%dma_wait3A] : memref<48000xi32, #tpu.memory_space<hbm>> -> memref<12000xi32, #tpu.memory_space<hbm>>
      %dma_wait3A_62 = arith.constant 12000 : i32
      %dma_wait3A_63 = tpu.memref_slice %arg2[%dma_wait3A_62] : memref<48000xi32, #tpu.memory_space<hbm>> -> memref<12000xi32, #tpu.memory_space<hbm>>
      tpu.wait_dma2 semaphore(%run_scoped3A : memref<!tpu.dma_semaphore, #tpu.memory_space<semaphore_mem>>) src(%dma_wait3A_63 : memref<12000xi32, #tpu.memory_space<hbm>>) dst(%arg4 : memref<12000xi32, #tpu.memory_space<vmem>>)
      tpu.yield
    }) : () -> ()
    %scan3A_16 = arith.constant 0 : i32
    %scan3A_17 = arith.constant 0 : i32
    %scan3A_18 = arith.constant 424 : i32
    %scan3A_19 = arith.addi %scan3A_17, %scan3A_18 : i32
    %scan3A_20 = arith.constant 1 : i32
    scf.for %scan3A_58 = %scan3A_17 to %scan3A_19 step %scan3A_20  : i32 {
      %broadcast_in_dim3A = arith.constant -1 : i32
      %broadcast_in_dim3A_59 = vector.broadcast %broadcast_in_dim3A : i32 to vector<16xi32>
      %mul3A_60 = arith.constant 16 : i32
      %mul3A_61 = arith.muli %scan3A_58, %mul3A_60 : i32
      %swap3A = arith.index_cast %mul3A_61 : i32 to index
      %swap3A_62 = tpu.vector_load %arg5[%swap3A] {strides = array<i32>} : memref<6784xi32, #tpu.memory_space<vmem>>, vector<16xi32>,
      tpu.vector_store %arg5[%swap3A], %broadcast_in_dim3A_59 {strides = array<i32>} : memref<6784xi32, #tpu.memory_space<vmem>>, vector<16xi32>,
    }
    %scan3A_21 = arith.constant 424 : i32
    %scan3A_22 = arith.constant 0 : i32
    %scan3A_23 = arith.constant 0 : i32
    %scan3A_24 = arith.constant 750 : i32
    %scan3A_25 = arith.addi %scan3A_23, %scan3A_24 : i32
    %scan3A_26 = arith.constant 1 : i32
    scf.for %scan3A_58 = %scan3A_23 to %scan3A_25 step %scan3A_26  : i32 {
      %mul3A_59 = arith.constant 16 : i32
      %mul3A_60 = arith.muli %scan3A_58, %mul3A_59 : i32
      %get3A = arith.index_cast %mul3A_60 : i32 to index
      %get3A_61 = tpu.vector_load %arg4[%get3A] {strides = array<i32>} : memref<12000xi32, #tpu.memory_space<vmem>>, vector<16xi32>,
      %sub3A = vector.broadcast %mul3A_2 : i32 to vector<16xi32>
      %sub3A_62 = arith.subi %get3A_61, %sub3A : vector<16xi32>
      %mul3A_63 = arith.constant 16 : i32
      %mul3A_64 = arith.muli %scan3A_58, %mul3A_63 : i32
      %add3A_65 = vector.broadcast %mul3A_64 : i32 to vector<16xi32>
      %add3A_66 = arith.addi %add3A_65, %iota3A : vector<16xi32>
      %ge3A = vector.broadcast %mul3A_2 : i32 to vector<16xi32>
      %ge3A_67 = arith.cmpi sge, %get3A_61, %ge3A : vector<16xi32>
      %add3A_68 = arith.constant 6696 : i32
      %add3A_69 = arith.addi %mul3A_2, %add3A_68 : i32
      %lt3A = vector.broadcast %add3A_69 : i32 to vector<16xi32>
      %lt3A_70 = arith.cmpi slt, %get3A_61, %lt3A : vector<16xi32>
      %and3A = arith.andi %ge3A_67, %lt3A_70 : vector<16xi1>
      %jit3A = arith.constant 0 : i32
      %broadcast_in_dim3A = vector.broadcast %jit3A : i32 to vector<16xi32>
      %select_n3A = arith.select %and3A, %sub3A_62, %broadcast_in_dim3A : vector<16xi1>, vector<16xi32>
      tpu.vector_store_idx %arg5[%select_n3A], %add3A_66 masked %and3A : memref<6784xi32, #tpu.memory_space<vmem>>[vector<16xi32>], vector<16xi32>, vector<16xi1>
      %gather3A = tpu.vector_load_idx %arg5[%select_n3A] masked %and3A : memref<6784xi32, #tpu.memory_space<vmem>>[vector<16xi32>], vector<16xi32>, vector<16xi1>
      %lt3A_71 = arith.cmpi slt, %gather3A, %add3A_66 : vector<16xi32>
      %and3A_72 = arith.andi %and3A, %lt3A_71 : vector<16xi1>
      tpu.vector_store_idx %arg5[%select_n3A], %add3A_66 masked %and3A_72 : memref<6784xi32, #tpu.memory_space<vmem>>[vector<16xi32>], vector<16xi32>, vector<16xi1>
      %gather3A_73 = tpu.vector_load_idx %arg5[%select_n3A] masked %and3A_72 : memref<6784xi32, #tpu.memory_space<vmem>>[vector<16xi32>], vector<16xi32>, vector<16xi1>
      %lt3A_74 = arith.cmpi slt, %gather3A_73, %add3A_66 : vector<16xi32>
      %and3A_75 = arith.andi %and3A_72, %lt3A_74 : vector<16xi1>
      tpu.vector_store_idx %arg5[%select_n3A], %add3A_66 masked %and3A_75 : memref<6784xi32, #tpu.memory_space<vmem>>[vector<16xi32>], vector<16xi32>, vector<16xi1>
    }
    %scan3A_27 = arith.constant 750 : i32
    %add3A_28 = arith.constant 214272 : i32
    %add3A_29 = arith.addi %add3A_28, %mul3A_2 : i32
    "tpu.region"() ({
      %run_scoped3A = tpu.sem_alloc : memref<!tpu.dma_semaphore, #tpu.memory_space<semaphore_mem>>
      %dma_start3A = arith.constant 0 : i32
      %dma_start3A_58 = tpu.memref_slice %arg5[%dma_start3A] : memref<6784xi32, #tpu.memory_space<vmem>> -> memref<6696xi32, #tpu.memory_space<vmem>>
      %dma_start3A_59 = tpu.memref_slice %arg3[%add3A_29] : memref<857088xi32, #tpu.memory_space<hbm>> -> memref<6696xi32, #tpu.memory_space<hbm>>
      %dma_start3A_60 = tpu.memref_slice %arg3[%add3A_29] : memref<857088xi32, #tpu.memory_space<hbm>> -> memref<6696xi32, #tpu.memory_space<hbm>>
      %dma_start3A_61 = arith.constant 0 : i32
      %dma_start3A_62 = tpu.memref_slice %arg5[%dma_start3A_61] : memref<6784xi32, #tpu.memory_space<vmem>> -> memref<6696xi32, #tpu.memory_space<vmem>>
      tpu.enqueue_dma source(%dma_start3A_62 : memref<6696xi32, #tpu.memory_space<vmem>>) target(%dma_start3A_60 : memref<6696xi32, #tpu.memory_space<hbm>>) target_semaphore(%run_scoped3A : memref<!tpu.dma_semaphore, #tpu.memory_space<semaphore_mem>>)
      %dma_wait3A = arith.constant 0 : i32
      %dma_wait3A_63 = tpu.memref_slice %arg5[%dma_wait3A] : memref<6784xi32, #tpu.memory_space<vmem>> -> memref<6696xi32, #tpu.memory_space<vmem>>
      %dma_wait3A_64 = tpu.memref_slice %arg3[%add3A_29] : memref<857088xi32, #tpu.memory_space<hbm>> -> memref<6696xi32, #tpu.memory_space<hbm>>
      %dma_wait3A_65 = tpu.memref_slice %arg3[%add3A_29] : memref<857088xi32, #tpu.memory_space<hbm>> -> memref<6696xi32, #tpu.memory_space<hbm>>
      %dma_wait3A_66 = arith.constant 0 : i32
      %dma_wait3A_67 = tpu.memref_slice %arg5[%dma_wait3A_66] : memref<6784xi32, #tpu.memory_space<vmem>> -> memref<6696xi32, #tpu.memory_space<vmem>>
      tpu.wait_dma2 semaphore(%run_scoped3A : memref<!tpu.dma_semaphore, #tpu.memory_space<semaphore_mem>>) src(%dma_wait3A_67 : memref<6696xi32, #tpu.memory_space<vmem>>) dst(%dma_wait3A_65 : memref<6696xi32, #tpu.memory_space<hbm>>)
      tpu.yield
    }) : () -> ()
    "tpu.region"() ({
      %run_scoped3A = tpu.sem_alloc : memref<!tpu.dma_semaphore, #tpu.memory_space<semaphore_mem>>
      %dma_start3A = arith.constant 24000 : i32
      %dma_start3A_58 = tpu.memref_slice %arg2[%dma_start3A] : memref<48000xi32, #tpu.memory_space<hbm>> -> memref<12000xi32, #tpu.memory_space<hbm>>
      %dma_start3A_59 = arith.constant 24000 : i32
      %dma_start3A_60 = tpu.memref_slice %arg2[%dma_start3A_59] : memref<48000xi32, #tpu.memory_space<hbm>> -> memref<12000xi32, #tpu.memory_space<hbm>>
      tpu.enqueue_dma source(%dma_start3A_60 : memref<12000xi32, #tpu.memory_space<hbm>>) target(%arg4 : memref<12000xi32, #tpu.memory_space<vmem>>) target_semaphore(%run_scoped3A : memref<!tpu.dma_semaphore, #tpu.memory_space<semaphore_mem>>)
      %dma_wait3A = arith.constant 24000 : i32
      %dma_wait3A_61 = tpu.memref_slice %arg2[%dma_wait3A] : memref<48000xi32, #tpu.memory_space<hbm>> -> memref<12000xi32, #tpu.memory_space<hbm>>
      %dma_wait3A_62 = arith.constant 24000 : i32
      %dma_wait3A_63 = tpu.memref_slice %arg2[%dma_wait3A_62] : memref<48000xi32, #tpu.memory_space<hbm>> -> memref<12000xi32, #tpu.memory_space<hbm>>
      tpu.wait_dma2 semaphore(%run_scoped3A : memref<!tpu.dma_semaphore, #tpu.memory_space<semaphore_mem>>) src(%dma_wait3A_63 : memref<12000xi32, #tpu.memory_space<hbm>>) dst(%arg4 : memref<12000xi32, #tpu.memory_space<vmem>>)
      tpu.yield
    }) : () -> ()
    %scan3A_30 = arith.constant 0 : i32
    %scan3A_31 = arith.constant 0 : i32
    %scan3A_32 = arith.constant 424 : i32
    %scan3A_33 = arith.addi %scan3A_31, %scan3A_32 : i32
    %scan3A_34 = arith.constant 1 : i32
    scf.for %scan3A_58 = %scan3A_31 to %scan3A_33 step %scan3A_34  : i32 {
      %broadcast_in_dim3A = arith.constant -1 : i32
      %broadcast_in_dim3A_59 = vector.broadcast %broadcast_in_dim3A : i32 to vector<16xi32>
      %mul3A_60 = arith.constant 16 : i32
      %mul3A_61 = arith.muli %scan3A_58, %mul3A_60 : i32
      %swap3A = arith.index_cast %mul3A_61 : i32 to index
      %swap3A_62 = tpu.vector_load %arg5[%swap3A] {strides = array<i32>} : memref<6784xi32, #tpu.memory_space<vmem>>, vector<16xi32>,
      tpu.vector_store %arg5[%swap3A], %broadcast_in_dim3A_59 {strides = array<i32>} : memref<6784xi32, #tpu.memory_space<vmem>>, vector<16xi32>,
    }
    %scan3A_35 = arith.constant 424 : i32
    %scan3A_36 = arith.constant 0 : i32
    %scan3A_37 = arith.constant 0 : i32
    %scan3A_38 = arith.constant 750 : i32
    %scan3A_39 = arith.addi %scan3A_37, %scan3A_38 : i32
    %scan3A_40 = arith.constant 1 : i32
    scf.for %scan3A_58 = %scan3A_37 to %scan3A_39 step %scan3A_40  : i32 {
      %mul3A_59 = arith.constant 16 : i32
      %mul3A_60 = arith.muli %scan3A_58, %mul3A_59 : i32
      %get3A = arith.index_cast %mul3A_60 : i32 to index
      %get3A_61 = tpu.vector_load %arg4[%get3A] {strides = array<i32>} : memref<12000xi32, #tpu.memory_space<vmem>>, vector<16xi32>,
      %sub3A = vector.broadcast %mul3A_2 : i32 to vector<16xi32>
      %sub3A_62 = arith.subi %get3A_61, %sub3A : vector<16xi32>
      %mul3A_63 = arith.constant 16 : i32
      %mul3A_64 = arith.muli %scan3A_58, %mul3A_63 : i32
      %add3A_65 = vector.broadcast %mul3A_64 : i32 to vector<16xi32>
      %add3A_66 = arith.addi %add3A_65, %iota3A : vector<16xi32>
      %ge3A = vector.broadcast %mul3A_2 : i32 to vector<16xi32>
      %ge3A_67 = arith.cmpi sge, %get3A_61, %ge3A : vector<16xi32>
      %add3A_68 = arith.constant 6696 : i32
      %add3A_69 = arith.addi %mul3A_2, %add3A_68 : i32
      %lt3A = vector.broadcast %add3A_69 : i32 to vector<16xi32>
      %lt3A_70 = arith.cmpi slt, %get3A_61, %lt3A : vector<16xi32>
      %and3A = arith.andi %ge3A_67, %lt3A_70 : vector<16xi1>
      %jit3A = arith.constant 0 : i32
      %broadcast_in_dim3A = vector.broadcast %jit3A : i32 to vector<16xi32>
      %select_n3A = arith.select %and3A, %sub3A_62, %broadcast_in_dim3A : vector<16xi1>, vector<16xi32>
      tpu.vector_store_idx %arg5[%select_n3A], %add3A_66 masked %and3A : memref<6784xi32, #tpu.memory_space<vmem>>[vector<16xi32>], vector<16xi32>, vector<16xi1>
      %gather3A = tpu.vector_load_idx %arg5[%select_n3A] masked %and3A : memref<6784xi32, #tpu.memory_space<vmem>>[vector<16xi32>], vector<16xi32>, vector<16xi1>
      %lt3A_71 = arith.cmpi slt, %gather3A, %add3A_66 : vector<16xi32>
      %and3A_72 = arith.andi %and3A, %lt3A_71 : vector<16xi1>
      tpu.vector_store_idx %arg5[%select_n3A], %add3A_66 masked %and3A_72 : memref<6784xi32, #tpu.memory_space<vmem>>[vector<16xi32>], vector<16xi32>, vector<16xi1>
      %gather3A_73 = tpu.vector_load_idx %arg5[%select_n3A] masked %and3A_72 : memref<6784xi32, #tpu.memory_space<vmem>>[vector<16xi32>], vector<16xi32>, vector<16xi1>
      %lt3A_74 = arith.cmpi slt, %gather3A_73, %add3A_66 : vector<16xi32>
      %and3A_75 = arith.andi %and3A_72, %lt3A_74 : vector<16xi1>
      tpu.vector_store_idx %arg5[%select_n3A], %add3A_66 masked %and3A_75 : memref<6784xi32, #tpu.memory_space<vmem>>[vector<16xi32>], vector<16xi32>, vector<16xi1>
    }
    %scan3A_41 = arith.constant 750 : i32
    %add3A_42 = arith.constant 428544 : i32
    %add3A_43 = arith.addi %add3A_42, %mul3A_2 : i32
    "tpu.region"() ({
      %run_scoped3A = tpu.sem_alloc : memref<!tpu.dma_semaphore, #tpu.memory_space<semaphore_mem>>
      %dma_start3A = arith.constant 0 : i32
      %dma_start3A_58 = tpu.memref_slice %arg5[%dma_start3A] : memref<6784xi32, #tpu.memory_space<vmem>> -> memref<6696xi32, #tpu.memory_space<vmem>>
      %dma_start3A_59 = tpu.memref_slice %arg3[%add3A_43] : memref<857088xi32, #tpu.memory_space<hbm>> -> memref<6696xi32, #tpu.memory_space<hbm>>
      %dma_start3A_60 = tpu.memref_slice %arg3[%add3A_43] : memref<857088xi32, #tpu.memory_space<hbm>> -> memref<6696xi32, #tpu.memory_space<hbm>>
      %dma_start3A_61 = arith.constant 0 : i32
      %dma_start3A_62 = tpu.memref_slice %arg5[%dma_start3A_61] : memref<6784xi32, #tpu.memory_space<vmem>> -> memref<6696xi32, #tpu.memory_space<vmem>>
      tpu.enqueue_dma source(%dma_start3A_62 : memref<6696xi32, #tpu.memory_space<vmem>>) target(%dma_start3A_60 : memref<6696xi32, #tpu.memory_space<hbm>>) target_semaphore(%run_scoped3A : memref<!tpu.dma_semaphore, #tpu.memory_space<semaphore_mem>>)
      %dma_wait3A = arith.constant 0 : i32
      %dma_wait3A_63 = tpu.memref_slice %arg5[%dma_wait3A] : memref<6784xi32, #tpu.memory_space<vmem>> -> memref<6696xi32, #tpu.memory_space<vmem>>
      %dma_wait3A_64 = tpu.memref_slice %arg3[%add3A_43] : memref<857088xi32, #tpu.memory_space<hbm>> -> memref<6696xi32, #tpu.memory_space<hbm>>
      %dma_wait3A_65 = tpu.memref_slice %arg3[%add3A_43] : memref<857088xi32, #tpu.memory_space<hbm>> -> memref<6696xi32, #tpu.memory_space<hbm>>
      %dma_wait3A_66 = arith.constant 0 : i32
      %dma_wait3A_67 = tpu.memref_slice %arg5[%dma_wait3A_66] : memref<6784xi32, #tpu.memory_space<vmem>> -> memref<6696xi32, #tpu.memory_space<vmem>>
      tpu.wait_dma2 semaphore(%run_scoped3A : memref<!tpu.dma_semaphore, #tpu.memory_space<semaphore_mem>>) src(%dma_wait3A_67 : memref<6696xi32, #tpu.memory_space<vmem>>) dst(%dma_wait3A_65 : memref<6696xi32, #tpu.memory_space<hbm>>)
      tpu.yield
    }) : () -> ()
    "tpu.region"() ({
      %run_scoped3A = tpu.sem_alloc : memref<!tpu.dma_semaphore, #tpu.memory_space<semaphore_mem>>
      %dma_start3A = arith.constant 36000 : i32
      %dma_start3A_58 = tpu.memref_slice %arg2[%dma_start3A] : memref<48000xi32, #tpu.memory_space<hbm>> -> memref<12000xi32, #tpu.memory_space<hbm>>
      %dma_start3A_59 = arith.constant 36000 : i32
      %dma_start3A_60 = tpu.memref_slice %arg2[%dma_start3A_59] : memref<48000xi32, #tpu.memory_space<hbm>> -> memref<12000xi32, #tpu.memory_space<hbm>>
      tpu.enqueue_dma source(%dma_start3A_60 : memref<12000xi32, #tpu.memory_space<hbm>>) target(%arg4 : memref<12000xi32, #tpu.memory_space<vmem>>) target_semaphore(%run_scoped3A : memref<!tpu.dma_semaphore, #tpu.memory_space<semaphore_mem>>)
      %dma_wait3A = arith.constant 36000 : i32
      %dma_wait3A_61 = tpu.memref_slice %arg2[%dma_wait3A] : memref<48000xi32, #tpu.memory_space<hbm>> -> memref<12000xi32, #tpu.memory_space<hbm>>
      %dma_wait3A_62 = arith.constant 36000 : i32
      %dma_wait3A_63 = tpu.memref_slice %arg2[%dma_wait3A_62] : memref<48000xi32, #tpu.memory_space<hbm>> -> memref<12000xi32, #tpu.memory_space<hbm>>
      tpu.wait_dma2 semaphore(%run_scoped3A : memref<!tpu.dma_semaphore, #tpu.memory_space<semaphore_mem>>) src(%dma_wait3A_63 : memref<12000xi32, #tpu.memory_space<hbm>>) dst(%arg4 : memref<12000xi32, #tpu.memory_space<vmem>>)
      tpu.yield
    }) : () -> ()
    %scan3A_44 = arith.constant 0 : i32
    %scan3A_45 = arith.constant 0 : i32
    %scan3A_46 = arith.constant 424 : i32
    %scan3A_47 = arith.addi %scan3A_45, %scan3A_46 : i32
    %scan3A_48 = arith.constant 1 : i32
    scf.for %scan3A_58 = %scan3A_45 to %scan3A_47 step %scan3A_48  : i32 {
      %broadcast_in_dim3A = arith.constant -1 : i32
      %broadcast_in_dim3A_59 = vector.broadcast %broadcast_in_dim3A : i32 to vector<16xi32>
      %mul3A_60 = arith.constant 16 : i32
      %mul3A_61 = arith.muli %scan3A_58, %mul3A_60 : i32
      %swap3A = arith.index_cast %mul3A_61 : i32 to index
      %swap3A_62 = tpu.vector_load %arg5[%swap3A] {strides = array<i32>} : memref<6784xi32, #tpu.memory_space<vmem>>, vector<16xi32>,
      tpu.vector_store %arg5[%swap3A], %broadcast_in_dim3A_59 {strides = array<i32>} : memref<6784xi32, #tpu.memory_space<vmem>>, vector<16xi32>,
    }
    %scan3A_49 = arith.constant 424 : i32
    %scan3A_50 = arith.constant 0 : i32
    %scan3A_51 = arith.constant 0 : i32
    %scan3A_52 = arith.constant 750 : i32
    %scan3A_53 = arith.addi %scan3A_51, %scan3A_52 : i32
    %scan3A_54 = arith.constant 1 : i32
    scf.for %scan3A_58 = %scan3A_51 to %scan3A_53 step %scan3A_54  : i32 {
      %mul3A_59 = arith.constant 16 : i32
      %mul3A_60 = arith.muli %scan3A_58, %mul3A_59 : i32
      %get3A = arith.index_cast %mul3A_60 : i32 to index
      %get3A_61 = tpu.vector_load %arg4[%get3A] {strides = array<i32>} : memref<12000xi32, #tpu.memory_space<vmem>>, vector<16xi32>,
      %sub3A = vector.broadcast %mul3A_2 : i32 to vector<16xi32>
      %sub3A_62 = arith.subi %get3A_61, %sub3A : vector<16xi32>
      %mul3A_63 = arith.constant 16 : i32
      %mul3A_64 = arith.muli %scan3A_58, %mul3A_63 : i32
      %add3A_65 = vector.broadcast %mul3A_64 : i32 to vector<16xi32>
      %add3A_66 = arith.addi %add3A_65, %iota3A : vector<16xi32>
      %ge3A = vector.broadcast %mul3A_2 : i32 to vector<16xi32>
      %ge3A_67 = arith.cmpi sge, %get3A_61, %ge3A : vector<16xi32>
      %add3A_68 = arith.constant 6696 : i32
      %add3A_69 = arith.addi %mul3A_2, %add3A_68 : i32
      %lt3A = vector.broadcast %add3A_69 : i32 to vector<16xi32>
      %lt3A_70 = arith.cmpi slt, %get3A_61, %lt3A : vector<16xi32>
      %and3A = arith.andi %ge3A_67, %lt3A_70 : vector<16xi1>
      %jit3A = arith.constant 0 : i32
      %broadcast_in_dim3A = vector.broadcast %jit3A : i32 to vector<16xi32>
      %select_n3A = arith.select %and3A, %sub3A_62, %broadcast_in_dim3A : vector<16xi1>, vector<16xi32>
      tpu.vector_store_idx %arg5[%select_n3A], %add3A_66 masked %and3A : memref<6784xi32, #tpu.memory_space<vmem>>[vector<16xi32>], vector<16xi32>, vector<16xi1>
      %gather3A = tpu.vector_load_idx %arg5[%select_n3A] masked %and3A : memref<6784xi32, #tpu.memory_space<vmem>>[vector<16xi32>], vector<16xi32>, vector<16xi1>
      %lt3A_71 = arith.cmpi slt, %gather3A, %add3A_66 : vector<16xi32>
      %and3A_72 = arith.andi %and3A, %lt3A_71 : vector<16xi1>
      tpu.vector_store_idx %arg5[%select_n3A], %add3A_66 masked %and3A_72 : memref<6784xi32, #tpu.memory_space<vmem>>[vector<16xi32>], vector<16xi32>, vector<16xi1>
      %gather3A_73 = tpu.vector_load_idx %arg5[%select_n3A] masked %and3A_72 : memref<6784xi32, #tpu.memory_space<vmem>>[vector<16xi32>], vector<16xi32>, vector<16xi1>
      %lt3A_74 = arith.cmpi slt, %gather3A_73, %add3A_66 : vector<16xi32>
      %and3A_75 = arith.andi %and3A_72, %lt3A_74 : vector<16xi1>
      tpu.vector_store_idx %arg5[%select_n3A], %add3A_66 masked %and3A_75 : memref<6784xi32, #tpu.memory_space<vmem>>[vector<16xi32>], vector<16xi32>, vector<16xi1>
    }
    %scan3A_55 = arith.constant 750 : i32
    %add3A_56 = arith.constant 642816 : i32
    %add3A_57 = arith.addi %add3A_56, %mul3A_2 : i32
    "tpu.region"() ({
      %run_scoped3A = tpu.sem_alloc : memref<!tpu.dma_semaphore, #tpu.memory_space<semaphore_mem>>
      %dma_start3A = arith.constant 0 : i32
      %dma_start3A_58 = tpu.memref_slice %arg5[%dma_start3A] : memref<6784xi32, #tpu.memory_space<vmem>> -> memref<6696xi32, #tpu.memory_space<vmem>>
      %dma_start3A_59 = tpu.memref_slice %arg3[%add3A_57] : memref<857088xi32, #tpu.memory_space<hbm>> -> memref<6696xi32, #tpu.memory_space<hbm>>
      %dma_start3A_60 = tpu.memref_slice %arg3[%add3A_57] : memref<857088xi32, #tpu.memory_space<hbm>> -> memref<6696xi32, #tpu.memory_space<hbm>>
      %dma_start3A_61 = arith.constant 0 : i32
      %dma_start3A_62 = tpu.memref_slice %arg5[%dma_start3A_61] : memref<6784xi32, #tpu.memory_space<vmem>> -> memref<6696xi32, #tpu.memory_space<vmem>>
      tpu.enqueue_dma source(%dma_start3A_62 : memref<6696xi32, #tpu.memory_space<vmem>>) target(%dma_start3A_60 : memref<6696xi32, #tpu.memory_space<hbm>>) target_semaphore(%run_scoped3A : memref<!tpu.dma_semaphore, #tpu.memory_space<semaphore_mem>>)
      %dma_wait3A = arith.constant 0 : i32
      %dma_wait3A_63 = tpu.memref_slice %arg5[%dma_wait3A] : memref<6784xi32, #tpu.memory_space<vmem>> -> memref<6696xi32, #tpu.memory_space<vmem>>
      %dma_wait3A_64 = tpu.memref_slice %arg3[%add3A_57] : memref<857088xi32, #tpu.memory_space<hbm>> -> memref<6696xi32, #tpu.memory_space<hbm>>
      %dma_wait3A_65 = tpu.memref_slice %arg3[%add3A_57] : memref<857088xi32, #tpu.memory_space<hbm>> -> memref<6696xi32, #tpu.memory_space<hbm>>
      %dma_wait3A_66 = arith.constant 0 : i32
      %dma_wait3A_67 = tpu.memref_slice %arg5[%dma_wait3A_66] : memref<6784xi32, #tpu.memory_space<vmem>> -> memref<6696xi32, #tpu.memory_space<vmem>>
      tpu.wait_dma2 semaphore(%run_scoped3A : memref<!tpu.dma_semaphore, #tpu.memory_space<semaphore_mem>>) src(%dma_wait3A_67 : memref<6696xi32, #tpu.memory_space<vmem>>) dst(%dma_wait3A_65 : memref<6696xi32, #tpu.memory_space<hbm>>)
      tpu.yield
    }) : () -> ()
    return
  }
}

module attributes {stable_mosaic.version = 14 : i64} {
  func.func @_pfn_body(%arg0: i32, %arg1: memref<1x600x128xf32, #tpu.memory_space<vmem>>, %arg2: memref<1x600x1xi32, #tpu.memory_space<vmem>>, %arg3: memref<1x600x1xf32, #tpu.memory_space<vmem>>, %arg4: memref<1x600x1xf32, #tpu.memory_space<vmem>>, %arg5: memref<128x2048xf32, #tpu.memory_space<vmem>>, %arg6: memref<128x64xf32, #tpu.memory_space<vmem>>, %arg7: memref<8x64xf32, #tpu.memory_space<vmem>>, %arg8: memref<1x600x64xf32, #tpu.memory_space<vmem>>) attributes {dimension_semantics = [#tpu.dimension_semantics<arbitrary>], iteration_bounds = array<i64: 80>, scalar_prefetch = 0 : i64, scratch_operands = 0 : i64, tpu.core_type = #tpu.core_type<tc>, window_params = [{transform_indices = @transform_0, window_bounds = array<i64: 1, 600, 128>}, {transform_indices = @transform_1, window_bounds = array<i64: 1, 600, 1>}, {transform_indices = @transform_2, window_bounds = array<i64: 1, 600, 1>}, {transform_indices = @transform_3, window_bounds = array<i64: 1, 600, 1>}, {pipeline_mode = #tpu.pipeline_mode<synchronous>, transform_indices = @transform_4, window_bounds = array<i64: 128, 2048>}, {pipeline_mode = #tpu.pipeline_mode<synchronous>, transform_indices = @transform_5, window_bounds = array<i64: 128, 64>}, {pipeline_mode = #tpu.pipeline_mode<synchronous>, transform_indices = @transform_6, window_bounds = array<i64: 8, 64>}, {transform_indices = @transform_7, window_bounds = array<i64: 1, 600, 64>}]} {
    %get3A = arith.constant 0 : index
    %get3A_0 = arith.constant 0 : index
    %get3A_1 = arith.constant 0 : index
    %get3A_2 = vector.load %arg1[%get3A, %get3A_0, %get3A_1] : memref<1x600x128xf32, #tpu.memory_space<vmem>>, vector<1x600x128xf32>
    %get3A_3 = vector.shape_cast %get3A_2 : vector<1x600x128xf32> to vector<600x128xf32>
    %get3A_4 = arith.constant 0 : index
    %get3A_5 = arith.constant 0 : index
    %get3A_6 = arith.constant 0 : index
    %get3A_7 = vector.load %arg2[%get3A_4, %get3A_5, %get3A_6] : memref<1x600x1xi32, #tpu.memory_space<vmem>>, vector<1x600x1xi32>
    %get3A_8 = vector.shape_cast %get3A_7 : vector<1x600x1xi32> to vector<600x1xi32>
    %get3A_9 = arith.constant 0 : index
    %get3A_10 = arith.constant 0 : index
    %get3A_11 = arith.constant 0 : index
    %get3A_12 = vector.load %arg3[%get3A_9, %get3A_10, %get3A_11] : memref<1x600x1xf32, #tpu.memory_space<vmem>>, vector<1x600x1xf32>
    %get3A_13 = vector.shape_cast %get3A_12 : vector<1x600x1xf32> to vector<600x1xf32>
    %get3A_14 = arith.constant 0 : index
    %get3A_15 = arith.constant 0 : index
    %get3A_16 = arith.constant 0 : index
    %get3A_17 = vector.load %arg4[%get3A_14, %get3A_15, %get3A_16] : memref<1x600x1xf32, #tpu.memory_space<vmem>>, vector<1x600x1xf32>
    %get3A_18 = vector.shape_cast %get3A_17 : vector<1x600x1xf32> to vector<600x1xf32>
    %get3A_19 = arith.constant 0 : index
    %get3A_20 = arith.constant 0 : index
    %get3A_21 = vector.load %arg7[%get3A_19, %get3A_20] : memref<8x64xf32, #tpu.memory_space<vmem>>, vector<1x64xf32>
    %get3A_22 = arith.constant 1 : index
    %get3A_23 = arith.constant 0 : index
    %get3A_24 = vector.load %arg7[%get3A_22, %get3A_23] : memref<8x64xf32, #tpu.memory_space<vmem>>, vector<1x64xf32>
    %get3A_25 = arith.constant 2 : index
    %get3A_26 = arith.constant 0 : index
    %get3A_27 = vector.load %arg7[%get3A_25, %get3A_26] : memref<8x64xf32, #tpu.memory_space<vmem>>, vector<1x64xf32>
    %get3A_28 = arith.constant 0 : index
    %get3A_29 = arith.constant 0 : index
    %get3A_30 = vector.load %arg5[%get3A_28, %get3A_29] : memref<128x2048xf32, #tpu.memory_space<vmem>>, vector<128x2048xf32>
    %dot_general3A = arith.constant dense<0.000000e+00> : vector<600x2048xf32>
    %dot_general3A_31 = tpu.matmul %get3A_3, %get3A_30, %dot_general3A {dimension_numbers = #tpu.dot_dimension_numbers<[1], [0], [0], [1], [0, 0, 1, 1], [], []>, transpose_lhs_hint = false} : vector<600x128xf32>, vector<128x2048xf32>, vector<600x2048xf32> -> vector<600x2048xf32>
    %get3A_32 = arith.constant 0 : index
    %get3A_33 = arith.constant 0 : index
    %get3A_34 = vector.load %arg6[%get3A_32, %get3A_33] : memref<128x64xf32, #tpu.memory_space<vmem>>, vector<128x64xf32>
    %dot_general3A_35 = arith.constant dense<0.000000e+00> : vector<600x64xf32>
    %dot_general3A_36 = tpu.matmul %get3A_3, %get3A_34, %dot_general3A_35 {dimension_numbers = #tpu.dot_dimension_numbers<[1], [0], [0], [1], [0, 0, 1, 1], [], []>, transpose_lhs_hint = false} : vector<600x128xf32>, vector<128x64xf32>, vector<600x64xf32> -> vector<600x64xf32>
    %convert_element_type3A = arith.sitofp %get3A_8 : vector<600x1xi32> to vector<600x1xf32>
    %div3A = vector.broadcast %convert_element_type3A : vector<600x1xf32> to vector<600x64xf32>
    %div3A_37 = arith.divf %dot_general3A_36, %div3A : vector<600x64xf32>
    %mul3A = vector.broadcast %get3A_13 : vector<600x1xf32> to vector<600x64xf32>
    %mul3A_38 = vector.broadcast %get3A_21 : vector<1x64xf32> to vector<600x64xf32>
    %mul3A_39 = arith.mulf %mul3A, %mul3A_38 : vector<600x64xf32>
    %add3A = arith.addf %div3A_37, %mul3A_39 : vector<600x64xf32>
    %mul3A_40 = vector.broadcast %get3A_18 : vector<600x1xf32> to vector<600x64xf32>
    %mul3A_41 = vector.broadcast %get3A_24 : vector<1x64xf32> to vector<600x64xf32>
    %mul3A_42 = arith.mulf %mul3A_40, %mul3A_41 : vector<600x64xf32>
    %add3A_43 = arith.addf %add3A, %mul3A_42 : vector<600x64xf32>
    %sub3A = vector.broadcast %get3A_27 : vector<1x64xf32> to vector<600x64xf32>
    %sub3A_44 = arith.subf %add3A_43, %sub3A : vector<600x64xf32>
    %iota3A = tpu.iota {dimensions = array<i32: 1>} : vector<600x2048xi32>
    %jit3A = arith.constant 64 : i32
    %div3A_45 = vector.broadcast %jit3A : i32 to vector<600x2048xi32>
    %div3A_46 = arith.divsi %iota3A, %div3A_45 : vector<600x2048xi32>
    %sign3A = arith.constant 0 : i32
    %sign3A_47 = vector.broadcast %sign3A : i32 to vector<600x2048xi32>
    %sign3A_48 = arith.cmpi sgt, %iota3A, %sign3A_47 : vector<600x2048xi32>
    %sign3A_49 = arith.extui %sign3A_48 : vector<600x2048xi1> to vector<600x2048xi32>
    %sign3A_50 = arith.constant 0 : i32
    %sign3A_51 = vector.broadcast %sign3A_50 : i32 to vector<600x2048xi32>
    %sign3A_52 = arith.cmpi slt, %iota3A, %sign3A_51 : vector<600x2048xi32>
    %sign3A_53 = arith.extui %sign3A_52 : vector<600x2048xi1> to vector<600x2048xi32>
    %sign3A_54 = arith.subi %sign3A_49, %sign3A_53 : vector<600x2048xi32>
    %sign3A_55 = arith.constant 0 : i32
    %sign3A_56 = arith.cmpi sgt, %jit3A, %sign3A_55 : i32
    %sign3A_57 = arith.extui %sign3A_56 : i1 to i32
    %sign3A_58 = arith.constant 0 : i32
    %sign3A_59 = arith.cmpi slt, %jit3A, %sign3A_58 : i32
    %sign3A_60 = arith.extui %sign3A_59 : i1 to i32
    %sign3A_61 = arith.subi %sign3A_57, %sign3A_60 : i32
    %ne3A = vector.broadcast %sign3A_61 : i32 to vector<600x2048xi32>
    %ne3A_62 = arith.cmpi ne, %sign3A_54, %ne3A : vector<600x2048xi32>
    %rem3A = vector.broadcast %jit3A : i32 to vector<600x2048xi32>
    %rem3A_63 = arith.remsi %iota3A, %rem3A : vector<600x2048xi32>
    %ne3A_64 = arith.constant 0 : i32
    %ne3A_65 = vector.broadcast %ne3A_64 : i32 to vector<600x2048xi32>
    %ne3A_66 = arith.cmpi ne, %rem3A_63, %ne3A_65 : vector<600x2048xi32>
    %and3A = arith.andi %ne3A_62, %ne3A_66 : vector<600x2048xi1>
    %sub3A_67 = arith.constant 1 : i32
    %sub3A_68 = vector.broadcast %sub3A_67 : i32 to vector<600x2048xi32>
    %sub3A_69 = arith.subi %div3A_46, %sub3A_68 : vector<600x2048xi32>
    %select_n3A = arith.select %and3A, %sub3A_69, %div3A_46 : vector<600x2048xi1>, vector<600x2048xi32>
    %lt3A = vector.broadcast %get3A_8 : vector<600x1xi32> to vector<600x2048xi32>
    %lt3A_70 = arith.cmpi slt, %select_n3A, %lt3A : vector<600x2048xi32>
    %jit3A_71 = arith.constant 0xFF800000 : f32
    %broadcast_in_dim3A = vector.broadcast %jit3A_71 : f32 to vector<600x2048xf32>
    %select_n3A_72 = arith.select %lt3A_70, %dot_general3A_31, %broadcast_in_dim3A : vector<600x2048xi1>, vector<600x2048xf32>
    %slice3A = vector.extract_strided_slice %select_n3A_72 {offsets = [0, 0], sizes = [600, 1024], strides = [1, 1]} : vector<600x2048xf32> to vector<600x1024xf32>
    %slice3A_73 = vector.extract_strided_slice %select_n3A_72 {offsets = [0, 1024], sizes = [600, 1024], strides = [1, 1]} : vector<600x2048xf32> to vector<600x1024xf32>
    %max3A = arith.maximumf %slice3A, %slice3A_73 : vector<600x1024xf32>
    %slice3A_74 = vector.extract_strided_slice %max3A {offsets = [0, 0], sizes = [600, 512], strides = [1, 1]} : vector<600x1024xf32> to vector<600x512xf32>
    %slice3A_75 = vector.extract_strided_slice %max3A {offsets = [0, 512], sizes = [600, 512], strides = [1, 1]} : vector<600x1024xf32> to vector<600x512xf32>
    %max3A_76 = arith.maximumf %slice3A_74, %slice3A_75 : vector<600x512xf32>
    %slice3A_77 = vector.extract_strided_slice %max3A_76 {offsets = [0, 0], sizes = [600, 256], strides = [1, 1]} : vector<600x512xf32> to vector<600x256xf32>
    %slice3A_78 = vector.extract_strided_slice %max3A_76 {offsets = [0, 256], sizes = [600, 256], strides = [1, 1]} : vector<600x512xf32> to vector<600x256xf32>
    %max3A_79 = arith.maximumf %slice3A_77, %slice3A_78 : vector<600x256xf32>
    %slice3A_80 = vector.extract_strided_slice %max3A_79 {offsets = [0, 0], sizes = [600, 128], strides = [1, 1]} : vector<600x256xf32> to vector<600x128xf32>
    %slice3A_81 = vector.extract_strided_slice %max3A_79 {offsets = [0, 128], sizes = [600, 128], strides = [1, 1]} : vector<600x256xf32> to vector<600x128xf32>
    %max3A_82 = arith.maximumf %slice3A_80, %slice3A_81 : vector<600x128xf32>
    %slice3A_83 = vector.extract_strided_slice %max3A_82 {offsets = [0, 0], sizes = [600, 64], strides = [1, 1]} : vector<600x128xf32> to vector<600x64xf32>
    %slice3A_84 = vector.extract_strided_slice %max3A_82 {offsets = [0, 64], sizes = [600, 64], strides = [1, 1]} : vector<600x128xf32> to vector<600x64xf32>
    %max3A_85 = arith.maximumf %slice3A_83, %slice3A_84 : vector<600x64xf32>
    %sub3A_86 = arith.subf %max3A_85, %sub3A_44 : vector<600x64xf32>
    %lt3A_87 = arith.constant 32 : i32
    %lt3A_88 = vector.broadcast %lt3A_87 : i32 to vector<600x1xi32>
    %lt3A_89 = arith.cmpi slt, %get3A_8, %lt3A_88 : vector<600x1xi32>
    %jit3A_90 = arith.constant 0xFF800000 : f32
    %broadcast_in_dim3A_91 = vector.shape_cast %lt3A_89 : vector<600x1xi1> to vector<600x1xi1>
    %broadcast_in_dim3A_92 = vector.broadcast %broadcast_in_dim3A_91 : vector<600x1xi1> to vector<600x64xi1>
    %broadcast_in_dim3A_93 = vector.shape_cast %get3A_27 : vector<1x64xf32> to vector<1x64xf32>
    %broadcast_in_dim3A_94 = vector.broadcast %broadcast_in_dim3A_93 : vector<1x64xf32> to vector<600x64xf32>
    %broadcast_in_dim3A_95 = vector.broadcast %jit3A_90 : f32 to vector<600x64xf32>
    %select_n3A_96 = arith.select %broadcast_in_dim3A_92, %broadcast_in_dim3A_94, %broadcast_in_dim3A_95 : vector<600x64xi1>, vector<600x64xf32>
    %max3A_97 = arith.maximumf %sub3A_86, %select_n3A_96 : vector<600x64xf32>
    %max3A_98 = arith.constant 0.000000e+00 : f32
    %max3A_99 = vector.broadcast %max3A_98 : f32 to vector<600x64xf32>
    %max3A_100 = arith.maximumf %max3A_97, %max3A_99 : vector<600x64xf32>
    %swap3A = arith.constant 0 : index
    %swap3A_101 = arith.constant 0 : index
    %swap3A_102 = arith.constant 0 : index
    %swap3A_103 = vector.load %arg8[%swap3A, %swap3A_101, %swap3A_102] : memref<1x600x64xf32, #tpu.memory_space<vmem>>, vector<1x600x64xf32>
    %swap3A_104 = vector.shape_cast %swap3A_103 : vector<1x600x64xf32> to vector<600x64xf32>
    %swap3A_105 = vector.shape_cast %max3A_100 : vector<600x64xf32> to vector<1x600x64xf32>
    tpu.vector_store %arg8[%swap3A, %swap3A_101, %swap3A_102], %swap3A_105 {strides = array<i32>} : memref<1x600x64xf32, #tpu.memory_space<vmem>>, vector<1x600x64xf32>,
    return
  }
  func.func @transform_0(%arg0: i32) -> (i32, i32, i32) {
    %c0_i32 = arith.constant 0 : i32
    %c0_i32_0 = arith.constant 0 : i32
    %c0_i32_1 = arith.constant 0 : i32
    return %arg0, %c0_i32, %c0_i32_0 : i32, i32, i32
  }
  func.func @transform_1(%arg0: i32) -> (i32, i32, i32) {
    %c0_i32 = arith.constant 0 : i32
    %c0_i32_0 = arith.constant 0 : i32
    %c0_i32_1 = arith.constant 0 : i32
    return %arg0, %c0_i32, %c0_i32_0 : i32, i32, i32
  }
  func.func @transform_2(%arg0: i32) -> (i32, i32, i32) {
    %c0_i32 = arith.constant 0 : i32
    %c0_i32_0 = arith.constant 0 : i32
    %c0_i32_1 = arith.constant 0 : i32
    return %arg0, %c0_i32, %c0_i32_0 : i32, i32, i32
  }
  func.func @transform_3(%arg0: i32) -> (i32, i32, i32) {
    %c0_i32 = arith.constant 0 : i32
    %c0_i32_0 = arith.constant 0 : i32
    %c0_i32_1 = arith.constant 0 : i32
    return %arg0, %c0_i32, %c0_i32_0 : i32, i32, i32
  }
  func.func @transform_4(%arg0: i32) -> (i32, i32) {
    %c0_i32 = arith.constant 0 : i32
    %c0_i32_0 = arith.constant 0 : i32
    %c0_i32_1 = arith.constant 0 : i32
    return %c0_i32, %c0_i32_0 : i32, i32
  }
  func.func @transform_5(%arg0: i32) -> (i32, i32) {
    %c0_i32 = arith.constant 0 : i32
    %c0_i32_0 = arith.constant 0 : i32
    %c0_i32_1 = arith.constant 0 : i32
    return %c0_i32, %c0_i32_0 : i32, i32
  }
  func.func @transform_6(%arg0: i32) -> (i32, i32) {
    %c0_i32 = arith.constant 0 : i32
    %c0_i32_0 = arith.constant 0 : i32
    %c0_i32_1 = arith.constant 0 : i32
    return %c0_i32, %c0_i32_0 : i32, i32
  }
  func.func @transform_7(%arg0: i32) -> (i32, i32, i32) {
    %c0_i32 = arith.constant 0 : i32
    %c0_i32_0 = arith.constant 0 : i32
    %c0_i32_1 = arith.constant 0 : i32
    return %arg0, %c0_i32, %c0_i32_0 : i32, i32, i32
  }
}

</mosaic_0001>

<sc_bundles>
// kernel: kernel.5.cloned.1.call-start
scs
__scs_entry_jumppad:
0x0: {  	(pc) =	sbr.rel $0x88, $3  }
0x1: {  	(tag) =	ssettag $0x0;
	lr =	simm.s32 $0x1  }
0x2: {  	[smem:$0x3F9A] =	sst lr;
	_ =	strace $0xD0000000  }
0x3: {  	_ = 	snop  }
0x4: {  	_ = 	snop  }
0x5: {  	_ = 	snop  }
0x6: {  	_ = 	snop  }
0x7: {  	_ = 	snop  }
__scs_overlays_trampoline_lowered:
0x8: {  	[smem:$0x3FA9] =	sst s0  }
0x9: {  	[smem:$0x3FAA] =	sst s1  }
0xa: {  	[smem:$0x3FAB] =	sst s2  }
0xb: {  	[smem:$0x3FAC] =	sst s3  }
0xc: {  	[smem:$0x3FAD] =	sst s4  }
0xd: {  	[smem:$0x3FAE] =	sst s5  }
0xe: {  	[smem:$0x3FAF] =	sst s6  }
0xf: {  	[smem:$0x3FB0] =	sst s7  }
0x10: {  	[smem:$0x3FB1] =	sst s8  }
0x11: {  	[smem:$0x3FB2] =	sst s9;
	s0 =	simm.s32 @!p0 $0x0  }
0x12: {  	s1 =	sld [smem:$0x3F98];
	s0 =	simm.s32 @p0 $0x1  }
0x13: {  	[smem:$0x3FB3] =	sst s0;
	s0 =	simm.s32 @!p1 $0x0  }
0x14: {  	s2 =	sld [smem:$0x3F97];
	s0 =	simm.s32 @p1 $0x1  }
0x15: {  	[smem:$0x3FB4] =	sst s0;
	s0 =	simm.s32 @!p2 $0x0  }
0x16: {  	s3 =	sld [smem:$0x3FDB];
	s0 =	simm.s32 @p2 $0x1  }
0x17: {  	s4 =	simm.s32 $0x1BF5;
	[smem:$0x3FB6] =	sst s0  }
0x18: {  	s0 =	sld [smem:$0x3F99];
	_ =	swait.ge [sflag:s4], $0x0  }
0x19: {  	s7 =	sld [smem:$0x3F9A]  }
0x1a: {  	s8 =	sadd.s32 $0xFFFFE003, lr  }
0x1b: {  	s9 =	sadd.s32 $0xFFFFFEF7, lr;
	s5 =	simm.s32 $0xFFFFFFFF;
	p2 =	slt.u32 s8, $0xFFFFF086  }
0x1c: {  	p1 =	slt.u32 s9, $0xF7A;
	s5 =	simm.s32 @!p2 $0x0  }
0x1d: {  	s5 =	simm.s32 @p1 $0x1;
	p0 =	seq.s32 s7, s2  }
0x1e: {  	s7 =	smul.u32 @!p0 $0xF7A, s2;
	p2 =	seq.s32 @!p0 s5, $0x0  }
0x1f: {  	s9 =	smul.u32 $0xF7A, s1;
	s8 =	simm.s32 @!p0 $0x1BF5;
	p2 =	por !p2, p0  }
0x20: {  	[sflag:s8] =	ssyncset.s32 @!p0 $0xFFFFF086;
	s6 =	sadd.s32 @!p0 s3, s7;
	s7 =	simm.s32 @!p0 $0x108  }
0x21: {  	s3 =	sadd.s32 s3, s9;
	s6 =	sadd.s32 @!p0 $0x88, s6;
	s7 =	simm.s32 @p2 $0x1082  }
0x22: {  	[simem:s7], [sflag:s8] =	dma.local @!p0 [hbm:s6], $0xF7A  }
0x23: {  	s9 =	sor.u32 $0xD0000000, s2;
	s6 =	simm.s32 $0x108;
	_ =	swait.ge @!p0 [sflag:s8], $0x0  }
0x24: {  	s3 =	sadd.s32 $0x88, s3;
	s6 =	simm.s32 @!p1 $0x1082;
	[sflag:s4] =	ssyncset.s32 $0xFFFFF086  }
0x25: {  	[simem:s6], [sflag:s4] =	dma.local [hbm:s3], $0xF7A  }
0x26: {  	[smem:$0x3F9A] =	sst s1;
	(tag) =	ssettag s2;
	_ =	strace s9  }
0x27: {  	s1 =	sld [smem:$0x3FAA]  }
0x28: {  	s2 =	sld [smem:$0x3FAB]  }
0x29: {  	s4 =	sld [smem:$0x3FAD]  }
0x2a: {  	p0 =	seq.s32 s5, $0x0;
	s5 =	sld [smem:$0x3FAE]  }
0x2b: {  	s6 =	sld [smem:$0x3FAF]  }
0x2c: {  	s7 =	sld [smem:$0x3FB0]  }
0x2d: {  	s3 =	simm.s32 $0x108;
	s8 =	sld [smem:$0x3FB1]  }
0x2e: {  	s3 =	simm.s32 @!p0 $0x1082;
	s9 =	sld [smem:$0x3FB2]  }
0x2f: {  	lr =	sadd.s32 s0, s3;
	s0 =	sld [smem:$0x3FA9]  }
0x30: {  	s3 =	sld [smem:$0x3FAC]  }
0x31: {  	[smem:$0x3FB5] =	sst s10  }
0x32: {  	s10 =	sld [smem:$0x3FB3];
	_ =	sdelay $0x3  }
0x33: {  	p0 =	seq.s32 s10, $0x1;
	s10 =	sld [smem:$0x3FB5];
	_ =	sdelay $0x3  }
0x34: {  	[smem:$0x3FB5] =	sst s10  }
0x35: {  	s10 =	sld [smem:$0x3FB4];
	_ =	sdelay $0x3  }
0x36: {  	p1 =	seq.s32 s10, $0x1;
	s10 =	sld [smem:$0x3FB5];
	_ =	sdelay $0x3  }
0x37: {  	[smem:$0x3FB5] =	sst s10  }
0x38: {  	s10 =	sld [smem:$0x3FB6]  }
0x39: {  	_ = 	snop;
	(pc) =	sbr.ind lr, $3  }
0x3a: {  	_ = 	snop  }
0x3b: {  	_ = 	snop  }
0x3c: {  	p2 =	seq.s32 s10, $0x1;
	s10 =	sld [smem:$0x3FB5]  }
0x3d: {  	_ =	shalt  }
0x3e: {  	_ =	shalt  }
0x3f: {  	_ =	shalt  }
0x40: {  	_ =	shalt  }
0x41: {  	_ =	shalt  }
0x42: {  	_ =	shalt  }
0x43: {  	_ =	shalt  }
0x44: {  	_ =	shalt  }
0x45: {  	_ =	shalt  }
0x46: {  	_ =	shalt  }
0x47: {  	_ =	shalt  }
0x48: {  	_ =	shalt  }
0x49: {  	_ =	shalt  }
0x4a: {  	_ =	shalt  }
0x4b: {  	_ =	shalt  }
0x4c: {  	_ =	shalt  }
0x4d: {  	_ =	shalt  }
0x4e: {  	_ =	shalt  }
0x4f: {  	_ =	shalt  }
0x50: {  	_ =	shalt  }
0x51: {  	_ =	shalt  }
0x52: {  	_ =	shalt  }
0x53: {  	_ =	shalt  }
0x54: {  	_ =	shalt  }
0x55: {  	_ =	shalt  }
0x56: {  	_ =	shalt  }
0x57: {  	_ =	shalt  }
0x58: {  	_ =	shalt  }
0x59: {  	_ =	shalt  }
0x5a: {  	_ =	shalt  }
0x5b: {  	_ =	shalt  }
0x5c: {  	_ =	shalt  }
0x5d: {  	_ =	shalt  }
0x5e: {  	_ =	shalt  }
0x5f: {  	_ =	shalt  }
0x60: {  	_ =	shalt  }
0x61: {  	_ =	shalt  }
0x62: {  	_ =	shalt  }
0x63: {  	_ =	shalt  }
0x64: {  	_ =	shalt  }
0x65: {  	_ =	shalt  }
0x66: {  	_ =	shalt  }
0x67: {  	_ =	shalt  }
0x68: {  	_ =	shalt  }
0x69: {  	_ =	shalt  }
0x6a: {  	_ =	shalt  }
0x6b: {  	_ =	shalt  }
0x6c: {  	_ =	shalt  }
0x6d: {  	_ =	shalt  }
0x6e: {  	_ =	shalt  }
0x6f: {  	_ =	shalt  }
0x70: {  	_ =	shalt  }
0x71: {  	_ =	shalt  }
0x72: {  	_ =	shalt  }
0x73: {  	_ =	shalt  }
0x74: {  	_ =	shalt  }
0x75: {  	_ =	shalt  }
0x76: {  	_ =	shalt  }
0x77: {  	_ =	shalt  }
0x78: {  	_ =	shalt  }
0x79: {  	_ =	shalt  }
0x7a: {  	_ =	shalt  }
0x7b: {  	_ =	shalt  }
0x7c: {  	_ =	shalt  }
0x7d: {  	_ =	shalt  }
0x7e: {  	_ =	shalt  }
0x7f: {  	_ =	shalt  }
0x80: {  	_ =	shalt  }
0x81: {  	_ =	shalt  }
0x82: {  	_ =	shalt  }
0x83: {  	_ =	shalt  }
0x84: {  	_ =	shalt  }
0x85: {  	_ =	shalt  }
0x86: {  	_ =	shalt  }
0x87: {  	_ =	shalt  }
.Lfunc_end0:
.L_simem_size_0:
called_computation_lowered:
.L_overlay_start_0:
0x88: {  	s2 =	sld [smem:$0x3FD9]  }
0x89: {  	s3 =	sld [smem:$0x3FFE];
	_ =	sdelay $0x1  }
0x8a: {  	s1 =	srdreg.scid  }
0x8b: {  	s0 =	sand.u32 $0x1, s1  }
0x8c: {  	s16 =	sshll.u32 s0, $0xA;
	s2 =	sadd.s32 s3, s2  }
0x8d: {  	s2 =	sadd.s32 s2, s16  }
0x8e: {  	[smem:$0x3FC1] =	sst s2  }
0x8f: {  	_ = 	snop  }
0x90: {  	(tm) =	ssettm $0x1  }
0x91: {  	s17 =	sld [smem:$0x3FFB];
	_ =	sdelay $0x3  }
0x92: {  	_ =	strace s17  }
0x93: {  	s2 =	sld [smem:$0x3FFC];
	_ =	sdelay $0x3  }
0x94: {  	_ =	strace s2  }
0x95: {  	s2 =	sld [smem:$0x3FFD];
	_ =	sdelay $0x3  }
0x96: {  	_ =	strace s2  }
0x97: {  	_ =	strace $0x8FFFFFFF  }
0x98: {  	s18 =	sld [smem:$0x3FDB];
	_ =	sdelay $0x1  }
0x99: {  	s19 =	simm.s32 $_scs_section_size  }
0x9a: {  	s4 =	simm.s32 $_size__tile_overlayer_lowered;
	s5 =	simm.s32 $_tile_overlayer_lowered  }
0x9b: {  	s22 =	simm.s32 $0x1BFF;
	s21 =	sshll.u32 s5, $0x1;
	s2 =	sadd.s32 s19, s18  }
0x9c: {  	s6 =	simm.s32 $0x0;
	s20 =	sshll.u32 s4, $0x1;
	s4 =	sadd.s32 s21, s2  }
0x9d: {  	[timem:s6], [sflag:s22] =	dma.local [hbm:s4], s20  }
0x9e: {  	_ =	swait.ge [sflag:s22], s20  }
0x9f: {  	s3 =	ssub.s32 $0x0, s20;
	[sflag:s22] =	ssyncset.done $0x0  }
0xa0: {  	[sflag:s22] =	ssyncadd.s32 s3;
	_ =	sdelay $0x1  }
0xa1: {  	s23 =	simm.s32 $0x1B8B  }
0xa2: {  	_ =	swait.ge [sflag:s23], $0x1  }
0xa3: {  	[sflag:s23] =	ssyncset.done $0x0  }
0xa4: {  	s25 =	simm.s32 $0x1B8E;
	s24 =	sld [smem:$0x3FFE];
	[sflag:s23] =	ssyncadd.s32 $0xFFFFFFFF  }
0xa5: {  	s26 =	simm.s32 $execute0_lowered;
	[smem:$0x3FD2] =	sst s25  }
0xa6: {  	s4 =	sshll.u32 s26, $0x1;
	_ =	strace $0x80000046;
	[dreg:$0x1] =	wrdreg $0xFFFFFFFF  }
0xa7: {  	s28 =	simm.s32 $_size_execute0_lowered;
	s2 =	sadd.s32 s2, s4;
	[dreg:$0x0] =	wrdreg $0x0  }
0xa8: {  	s4 =	sshll.u32 s28, $0x1;
	[dreg:$0x2] =	wrdreg s2  }
0xa9: {  	[dreg:$0x3] =	wrdreg s4  }
0xaa: {  	[dreg:$0x4] =	wrdreg $0xC0  }
0xab: {  	_ =	task [dreg:s6], $0x5FFFF  }
0xac: {  	[dreg:$0x1] =	wrdreg $0xFFFFFFFF  }
0xad: {  	[dreg:$0x0] =	wrdreg $0x60  }
0xae: {  	[dreg:$0x2] =	wrdreg s24  }
0xaf: {  	[dreg:$0x3] =	wrdreg $0x9  }
0xb0: {  	_ =	task.clear_ibuf [dreg:s6], $0x4FFFF;
	_ =	strace $0x90000046  }
0xb1: {  	s29 =	simm.s32 $0x9;
	_ =	strace $0x80000048  }
0xb2: {  	_ =	swait.ge [sflag:s29], $0x1  }
0xb3: {  	[sflag:s29] =	ssyncadd.s32 $0xFFFFFFFF  }
0xb4: {  	_ =	strace $0x90000048  }
0xb5: {  	_ =	sfence  }
0xb6: {  	s30 =	sld [smem:$0x0];
	_ =	sdelay $0x2  }
0xb7: {  	s31 =	sshll.u32 s1, $0xD;
	s1 =	sshrl.u32 s1, $0x2  }
0xb8: {  	s3 =	sand.u32 $0x4000, s31;
	s1 =	sadd.s32 s1, s30  }
0xb9: {  	s0 =	sor.u32 s3, s0;
	s1 =	sshll.u32 s1, $0x11  }
0xba: {  	s0 =	sor.u32 s1, s0  }
0xbb: {  	s0 =	sadd.s32 $0x8F2B, s0  }
0xbc: {  	[sflag:s0] =	ssyncadd.remote.s32 $0x1  }
0xbd: {  	_ =	sfence.sel $0xFFFF  }
0xbe: {  	[dreg:$0x0] =	wrdreg $0xFFFFFFFF;
	(pc) =	sbr.abs _section_cstart, $3  }
0xbf: {  	[dreg:$0x1] =	wrdreg $0xFFFFFFFF  }
0xc0: {  	_ =	task.clear_ibuf [dreg:s6], $0x2FFFF;
	_ =	strace $0x9FFFFFFF  }
0xc1: {  	(tm) =	ssettm $0x7FFFFFFF  }
tec
execute0_lowered:
.L_overlay_start_1:
0x0: {  	(tag) =	ssettag $0x1  }
0x1: {  	s1 =	srdreg.scid;
	s0 =	stileid.u32  }
0x2: {  	s9 =	rddreg [dreg:$0x0];
	s3 =	sand.u32 $0x1, s1;
	s30 =	sshll.u32 s0, $0x1  }
0x3: {  	s2 =	simm.s32 $0x0;
	s1 =	rddreg [dreg:$0x1];
	s4 =	sor.u32 s3, s30  }
0x4: {  	s14 =	simm.s32 $0x0;
	[smem:$0x7FF] =	sst s2;
	s10 =	smul.u32 $0x1A28, s4  }
0x5: {  	s7 =	sadd.s32 $0x35B8, s9;
	s31 =	ssub.s32 $0x2, s3;
	_ =	strace $0x80000047  }
0x6: {  	s3 =	sadd.s32 $0x2A00, s9;
	s6 =	sshrl.u32 s31, $0x1;
	s5 =	sshrl.u32 s10, $0x3  }
0x7: {  	s12 =	ssub.s32 s31, s6;
	s13 =	sadd.s32 $0x1A28, s10;
	s11 =	sadd.s32 s5, s9  }
0x8: {  	s5 =	sadd.s32 $0x2FDC, s9;
	s9 =	sadd.s32 $0x3B94, s9;
	v1 =	vmov s13;
	s13 =	simm.s32 $0x2F00  }
0x9: {  	s4 =	sadd.s32 $0x4200, s11;
	s6 =	sadd.s32 $0xAAA0, s11;
	s8 =	sadd.s32 $0x11340, s11  }
0xa: {  	v2 =	vimm.s32 $0xFFFFFFFF;
	v3 =	vlaneseq.u32;
	v0 =	vmov s10;
	s10 =	sadd.s32 $0x17BE0, s11;
	s11 =	smax.u32 s12, $0x1;
	s12 =	simm.s32 $0x1  }
.LBB2_1:
0xb: {  	[tilespmem:s2], [sflag:$0x1] =	stream.linear.gather [hbm4b:s3+s2], $0x2EE0, $0x38;
	[tilespmem:$0x4980] =	vst v63  }
0xc: {  	_ =	swait.ge [sflag:s12], $0x2EE0  }
0xd: {  	[sflag:s12] =	ssyncset.done $0x0  }
0xe: {  	s15 =	simm.s32 $0x0;
	[sflag:s12] =	ssyncadd.s32 $0xFFFFD120  }
.LBB2_2:
0xf: {  	p0 =	sne.s32 s15, $0x69C0  }
.Ltmp0:
0x10: {  	_ = 	snop;
	(pc) =	sbr.rel @p0 .LBB2_2-.Ltmp0, $3  }
0x11: {  	_ =	sdelay $0x1  }
0x12: {  	s16 =	sshra.s32 s15, $0x2  }
0x13: {  	s15 =	sadd.s32 $0x40, s15;
	[tilespmem:s16+$0x2F00] =	vst v2  }
0x14: {  	s15 =	simm.s32 $0x0;
	s16 =	simm.s32 $0x0  }
.LBB2_4:
0x15: {  	v4 =	vld [tilespmem:s15+$0x0];
	_ =	sdelay $0x4  }
0x16: {  	vm0 =	vge.s32 v4, v0;
	vm1 =	vlt.s32 v4, v1  }
0x17: {  	v4 =	vsub.s32 v4, v0;
	vm0 =	vmand vm0, vm1  }
0x18: {  	v4 =	vnsel vm0, $0x0, v4;
	_ =	sdelay $0x3  }
0x19: {  	v5 =	vor.u32 s16, v3  }
0x1a: {  	[tilespmem:v4+s13+$0x0] =	vst.idx.msk vm0, v5  }
0x1b: {  	v6 =	vld.idx.msk [tilespmem:v4+s13+$0x0], vm0;
	_ =	sdelay $0x4  }
0x1c: {  	vm14 =	vlt.s32 v6, v5  }
0x1d: {  	vm0 =	vmand vm0, vm14;
	_ =	sdelay $0x5  }
0x1e: {  	[tilespmem:v4+s13+$0x0] =	vst.idx.msk vm0, v5  }
0x1f: {  	v63 =	vld.idx.msk [tilespmem:v4+s13+$0x0], vm0;
	_ =	sdelay $0x4  }
0x20: {  	vm15 =	vlt.s32 v63, v5  }
0x21: {  	vm0 =	vmand vm0, vm15  }
0x22: {  	p0 =	sne.s32 s16, $0x2ED0  }
.Ltmp1:
0x23: {  	_ = 	snop;
	(pc) =	sbr.rel @p0 .LBB2_4-.Ltmp1, $2  }
0x24: {  	_ =	sdelay $0x2  }
0x25: {  	s15 =	sadd.s32 $0x10, s15;
	s16 =	sadd.s32 $0x10, s16;
	[tilespmem:v4+s13+$0x0] =	vst.idx.msk vm0, v5  }
0x26: {  	s15 =	simm.s32 $0x0  }
0x27: {  	[hbm4b:s4+s15] =	stream.linear.scatter [tilespmem:s13], [sflag:$0x1], $0x1A28, $0x38;
	[tilespmem:$0x4980] =	vst v63  }
0x28: {  	_ =	swait.ge [sflag:s12], $0x1A28  }
0x29: {  	[sflag:s12] =	ssyncset.done $0x0  }
0x2a: {  	[sflag:s12] =	ssyncadd.s32 $0xFFFFE5D8  }
0x2b: {  	[tilespmem:s15], [sflag:$0x1] =	stream.linear.gather [hbm4b:s5+s15], $0x2EE0, $0x38;
	[tilespmem:$0x4980] =	vst v63  }
0x2c: {  	_ =	swait.ge [sflag:s12], $0x2EE0  }
0x2d: {  	[sflag:s12] =	ssyncset.done $0x0  }
0x2e: {  	s16 =	simm.s32 $0x40;
	s17 =	simm.s32 $0x0;
	[sflag:s12] =	ssyncadd.s32 $0xFFFFD120  }
.LBB2_6:
0x2f: {  	p0 =	sne.s32 s16, $0x69C0;
	[tilespmem:s17+$0x2F00] =	vst v2;
	s17 =	smov.u32 s16;
	s16 =	sadd.s32 $0x40, s16  }
.Ltmp2:
0x30: {  	(pc) =	sbr.rel @p0 .LBB2_6-.Ltmp2, $2  }
0x31: {  	_ =	sdelay $0x2  }
0x32: {  	s17 =	sshra.s32 s17, $0x2  }
0x33: {  	[tilespmem:s17+$0x2F00] =	vst v2;
	s16 =	simm.s32 $0x0  }
.LBB2_8:
0x34: {  	v4 =	vld [tilespmem:s15+$0x0];
	_ =	sdelay $0x4  }
0x35: {  	vm0 =	vge.s32 v4, v0;
	vm1 =	vlt.s32 v4, v1  }
0x36: {  	v4 =	vsub.s32 v4, v0;
	vm0 =	vmand vm0, vm1  }
0x37: {  	v4 =	vnsel vm0, $0x0, v4;
	_ =	sdelay $0x3  }
0x38: {  	v5 =	vor.u32 s16, v3  }
0x39: {  	[tilespmem:v4+s13+$0x0] =	vst.idx.msk vm0, v5  }
0x3a: {  	v6 =	vld.idx.msk [tilespmem:v4+s13+$0x0], vm0;
	_ =	sdelay $0x4  }
0x3b: {  	vm14 =	vlt.s32 v6, v5  }
0x3c: {  	vm0 =	vmand vm0, vm14;
	_ =	sdelay $0x5  }
0x3d: {  	[tilespmem:v4+s13+$0x0] =	vst.idx.msk vm0, v5  }
0x3e: {  	v63 =	vld.idx.msk [tilespmem:v4+s13+$0x0], vm0;
	_ =	sdelay $0x4  }
0x3f: {  	vm15 =	vlt.s32 v63, v5  }
0x40: {  	vm0 =	vmand vm0, vm15  }
0x41: {  	p0 =	sne.s32 s16, $0x2ED0  }
.Ltmp3:
0x42: {  	_ = 	snop;
	(pc) =	sbr.rel @p0 .LBB2_8-.Ltmp3, $2  }
0x43: {  	_ =	sdelay $0x2  }
0x44: {  	s15 =	sadd.s32 $0x10, s15;
	s16 =	sadd.s32 $0x10, s16;
	[tilespmem:v4+s13+$0x0] =	vst.idx.msk vm0, v5  }
0x45: {  	s15 =	simm.s32 $0x0  }
0x46: {  	[hbm4b:s6+s15] =	stream.linear.scatter [tilespmem:s13], [sflag:$0x1], $0x1A28, $0x38;
	[tilespmem:$0x4980] =	vst v63  }
0x47: {  	_ =	swait.ge [sflag:s12], $0x1A28  }
0x48: {  	[sflag:s12] =	ssyncset.done $0x0  }
0x49: {  	[sflag:s12] =	ssyncadd.s32 $0xFFFFE5D8  }
0x4a: {  	[tilespmem:s15], [sflag:$0x1] =	stream.linear.gather [hbm4b:s7+s15], $0x2EE0, $0x38;
	[tilespmem:$0x4980] =	vst v63  }
0x4b: {  	_ =	swait.ge [sflag:s12], $0x2EE0  }
0x4c: {  	[sflag:s12] =	ssyncset.done $0x0  }
0x4d: {  	s16 =	simm.s32 $0x40;
	s17 =	simm.s32 $0x0;
	[sflag:s12] =	ssyncadd.s32 $0xFFFFD120  }
.LBB2_10:
0x4e: {  	p0 =	sne.s32 s16, $0x69C0;
	[tilespmem:s17+$0x2F00] =	vst v2;
	s17 =	smov.u32 s16;
	s16 =	sadd.s32 $0x40, s16  }
.Ltmp4:
0x4f: {  	(pc) =	sbr.rel @p0 .LBB2_10-.Ltmp4, $2  }
0x50: {  	_ =	sdelay $0x2  }
0x51: {  	s17 =	sshra.s32 s17, $0x2  }
0x52: {  	[tilespmem:s17+$0x2F00] =	vst v2;
	s16 =	simm.s32 $0x0  }
.LBB2_12:
0x53: {  	v4 =	vld [tilespmem:s15+$0x0];
	_ =	sdelay $0x4  }
0x54: {  	vm0 =	vge.s32 v4, v0;
	vm1 =	vlt.s32 v4, v1  }
0x55: {  	v4 =	vsub.s32 v4, v0;
	vm0 =	vmand vm0, vm1  }
0x56: {  	v4 =	vnsel vm0, $0x0, v4;
	_ =	sdelay $0x3  }
0x57: {  	v5 =	vor.u32 s16, v3  }
0x58: {  	[tilespmem:v4+s13+$0x0] =	vst.idx.msk vm0, v5  }
0x59: {  	v6 =	vld.idx.msk [tilespmem:v4+s13+$0x0], vm0;
	_ =	sdelay $0x4  }
0x5a: {  	vm14 =	vlt.s32 v6, v5  }
0x5b: {  	vm0 =	vmand vm0, vm14;
	_ =	sdelay $0x5  }
0x5c: {  	[tilespmem:v4+s13+$0x0] =	vst.idx.msk vm0, v5  }
0x5d: {  	v63 =	vld.idx.msk [tilespmem:v4+s13+$0x0], vm0;
	_ =	sdelay $0x4  }
0x5e: {  	vm15 =	vlt.s32 v63, v5  }
0x5f: {  	vm0 =	vmand vm0, vm15  }
0x60: {  	p0 =	sne.s32 s16, $0x2ED0  }
.Ltmp5:
0x61: {  	_ = 	snop;
	(pc) =	sbr.rel @p0 .LBB2_12-.Ltmp5, $2  }
0x62: {  	_ =	sdelay $0x2  }
0x63: {  	s15 =	sadd.s32 $0x10, s15;
	s16 =	sadd.s32 $0x10, s16;
	[tilespmem:v4+s13+$0x0] =	vst.idx.msk vm0, v5  }
0x64: {  	s15 =	simm.s32 $0x0  }
0x65: {  	[hbm4b:s8+s15] =	stream.linear.scatter [tilespmem:s13], [sflag:$0x1], $0x1A28, $0x38;
	[tilespmem:$0x4980] =	vst v63  }
0x66: {  	_ =	swait.ge [sflag:s12], $0x1A28  }
0x67: {  	[sflag:s12] =	ssyncset.done $0x0  }
0x68: {  	[sflag:s12] =	ssyncadd.s32 $0xFFFFE5D8  }
0x69: {  	[tilespmem:s15], [sflag:$0x1] =	stream.linear.gather [hbm4b:s9+s15], $0x2EE0, $0x38;
	[tilespmem:$0x4980] =	vst v63  }
0x6a: {  	_ =	swait.ge [sflag:s12], $0x2EE0  }
0x6b: {  	[sflag:s12] =	ssyncset.done $0x0  }
0x6c: {  	s16 =	simm.s32 $0x40;
	s17 =	simm.s32 $0x0;
	[sflag:s12] =	ssyncadd.s32 $0xFFFFD120  }
.LBB2_14:
0x6d: {  	p0 =	sne.s32 s16, $0x69C0;
	[tilespmem:s17+$0x2F00] =	vst v2;
	s17 =	smov.u32 s16;
	s16 =	sadd.s32 $0x40, s16  }
.Ltmp6:
0x6e: {  	(pc) =	sbr.rel @p0 .LBB2_14-.Ltmp6, $2  }
0x6f: {  	_ =	sdelay $0x2  }
0x70: {  	s17 =	sshra.s32 s17, $0x2  }
0x71: {  	[tilespmem:s17+$0x2F00] =	vst v2;
	s16 =	simm.s32 $0x0  }
.LBB2_16:
0x72: {  	v4 =	vld [tilespmem:s15+$0x0];
	_ =	sdelay $0x4  }
0x73: {  	vm0 =	vge.s32 v4, v0;
	vm1 =	vlt.s32 v4, v1  }
0x74: {  	v4 =	vsub.s32 v4, v0;
	vm0 =	vmand vm0, vm1  }
0x75: {  	v4 =	vnsel vm0, $0x0, v4;
	_ =	sdelay $0x3  }
0x76: {  	v5 =	vor.u32 s16, v3  }
0x77: {  	[tilespmem:v4+s13+$0x0] =	vst.idx.msk vm0, v5  }
0x78: {  	v6 =	vld.idx.msk [tilespmem:v4+s13+$0x0], vm0;
	_ =	sdelay $0x4  }
0x79: {  	vm14 =	vlt.s32 v6, v5  }
0x7a: {  	vm0 =	vmand vm0, vm14;
	_ =	sdelay $0x5  }
0x7b: {  	[tilespmem:v4+s13+$0x0] =	vst.idx.msk vm0, v5  }
0x7c: {  	v63 =	vld.idx.msk [tilespmem:v4+s13+$0x0], vm0;
	_ =	sdelay $0x4  }
0x7d: {  	vm15 =	vlt.s32 v63, v5  }
0x7e: {  	vm0 =	vmand vm0, vm15  }
0x7f: {  	p0 =	sne.s32 s16, $0x2ED0  }
.Ltmp7:
0x80: {  	_ = 	snop;
	(pc) =	sbr.rel @p0 .LBB2_16-.Ltmp7, $2  }
0x81: {  	_ =	sdelay $0x2  }
0x82: {  	s15 =	sadd.s32 $0x10, s15;
	s16 =	sadd.s32 $0x10, s16;
	[tilespmem:v4+s13+$0x0] =	vst.idx.msk vm0, v5  }
0x83: {  	s14 =	sadd.s32 $0x1, s14  }
0x84: {  	p0 =	sne.s32 s14, s11  }
.Ltmp8:
0x85: {  	_ = 	snop;
	(pc) =	sbr.rel @p0 .LBB2_1-.Ltmp8, $4  }
0x86: {  	[hbm4b:s10+s2] =	stream.linear.scatter [tilespmem:s13], [sflag:$0x1], $0x1A28, $0x38;
	[tilespmem:$0x4980] =	vst v63  }
0x87: {  	_ =	swait.ge [sflag:s12], $0x1A28  }
0x88: {  	[sflag:s12] =	ssyncset.done $0x0  }
0x89: {  	[sflag:s12] =	ssyncadd.s32 $0xFFFFE5D8  }
0x8a: {  	_ =	sfence.sel $0x180000  }
0x8b: {  	[bflag:$0x0] =	sbarrier.arrive $0xFFFF  }
0x8c: {  	p0 =	sne.s32 s0, $0x0;
	_ =	strace $0x90000047  }
0x8d: {  	s0 =	sadd.s32 @!p0 $0x100000, s1;
	[bflag:$0x2] =	sbarrier.arrive $0xFFFF  }
0x8e: {  	[sflag:s0] =	ssyncadd.tile.s32 @!p0 $0x1;
	_ =	shalt  }
.Lfunc_end2:
_tile_overlayer_lowered:
.L_overlay_start_2:
0x8f: {  	(tag) =	ssettag $0x2  }
0x90: {  	s0 =	rddreg [dreg:$0x0];
	s2 =	stileid.u32  }
0x91: {  	s1 =	rddreg [dreg:$0x1];
	p0 =	sne.s32 s2, $0x0  }
0x92: {  	s3 =	rddreg [dreg:$0x2];
	[bflag:$0x3] =	sbarrier.arrive $0xFFFF;
	s2 =	simm.s32 @!p0 $0x1C01  }
0x93: {  	[timem:s3], [sflag:s2] =	dma.local @!p0 [hbm:s0], s1  }
0x94: {  	s0 =	simm.s32 @!p0 $0x1  }
0x95: {  	_ =	swait.ge @!p0 [sflag:s0], s1  }
0x96: {  	s1 =	ssub.s32 @!p0 $0x0, s1;
	[sflag:s0] =	ssyncset.done @!p0 $0x0  }
0x97: {  	[sflag:s0] =	ssyncadd.s32 @!p0 s1  }
0x98: {  	[bflag:$0x3] =	sbarrier.arrive $0xFFFF  }
0x99: {  	_ =	shalt  }

// kernel: kernel.8.cloned.1.call-start
scs
__scs_entry_jumppad:
0x0: {  	(pc) =	sbr.rel $0x88, $3  }
0x1: {  	(tag) =	ssettag $0x0;
	lr =	simm.s32 $0x1  }
0x2: {  	[smem:$0x3F9A] =	sst lr;
	_ =	strace $0xD0000000  }
0x3: {  	_ = 	snop  }
0x4: {  	_ = 	snop  }
0x5: {  	_ = 	snop  }
0x6: {  	_ = 	snop  }
0x7: {  	_ = 	snop  }
__scs_overlays_trampoline_lowered:
0x8: {  	[smem:$0x3FA9] =	sst s0  }
0x9: {  	[smem:$0x3FAA] =	sst s1  }
0xa: {  	[smem:$0x3FAB] =	sst s2  }
0xb: {  	[smem:$0x3FAC] =	sst s3  }
0xc: {  	[smem:$0x3FAD] =	sst s4  }
0xd: {  	[smem:$0x3FAE] =	sst s5  }
0xe: {  	[smem:$0x3FAF] =	sst s6  }
0xf: {  	[smem:$0x3FB0] =	sst s7  }
0x10: {  	[smem:$0x3FB1] =	sst s8  }
0x11: {  	[smem:$0x3FB2] =	sst s9;
	s0 =	simm.s32 @!p0 $0x0  }
0x12: {  	s1 =	sld [smem:$0x3F98];
	s0 =	simm.s32 @p0 $0x1  }
0x13: {  	[smem:$0x3FB3] =	sst s0;
	s0 =	simm.s32 @!p1 $0x0  }
0x14: {  	s2 =	sld [smem:$0x3F97];
	s0 =	simm.s32 @p1 $0x1  }
0x15: {  	[smem:$0x3FB4] =	sst s0;
	s0 =	simm.s32 @!p2 $0x0  }
0x16: {  	s3 =	sld [smem:$0x3FDB];
	s0 =	simm.s32 @p2 $0x1  }
0x17: {  	s4 =	simm.s32 $0x1BF5;
	[smem:$0x3FB6] =	sst s0  }
0x18: {  	s0 =	sld [smem:$0x3F99];
	_ =	swait.ge [sflag:s4], $0x0  }
0x19: {  	s7 =	sld [smem:$0x3F9A]  }
0x1a: {  	s8 =	sadd.s32 $0xFFFFE003, lr  }
0x1b: {  	s9 =	sadd.s32 $0xFFFFFEF7, lr;
	s5 =	simm.s32 $0xFFFFFFFF;
	p2 =	slt.u32 s8, $0xFFFFF086  }
0x1c: {  	p1 =	slt.u32 s9, $0xF7A;
	s5 =	simm.s32 @!p2 $0x0  }
0x1d: {  	s5 =	simm.s32 @p1 $0x1;
	p0 =	seq.s32 s7, s2  }
0x1e: {  	s7 =	smul.u32 @!p0 $0xF7A, s2;
	p2 =	seq.s32 @!p0 s5, $0x0  }
0x1f: {  	s9 =	smul.u32 $0xF7A, s1;
	s8 =	simm.s32 @!p0 $0x1BF5;
	p2 =	por !p2, p0  }
0x20: {  	[sflag:s8] =	ssyncset.s32 @!p0 $0xFFFFF086;
	s6 =	sadd.s32 @!p0 s3, s7;
	s7 =	simm.s32 @!p0 $0x108  }
0x21: {  	s3 =	sadd.s32 s3, s9;
	s6 =	sadd.s32 @!p0 $0x88, s6;
	s7 =	simm.s32 @p2 $0x1082  }
0x22: {  	[simem:s7], [sflag:s8] =	dma.local @!p0 [hbm:s6], $0xF7A  }
0x23: {  	s9 =	sor.u32 $0xD0000000, s2;
	s6 =	simm.s32 $0x108;
	_ =	swait.ge @!p0 [sflag:s8], $0x0  }
0x24: {  	s3 =	sadd.s32 $0x88, s3;
	s6 =	simm.s32 @!p1 $0x1082;
	[sflag:s4] =	ssyncset.s32 $0xFFFFF086  }
0x25: {  	[simem:s6], [sflag:s4] =	dma.local [hbm:s3], $0xF7A  }
0x26: {  	[smem:$0x3F9A] =	sst s1;
	(tag) =	ssettag s2;
	_ =	strace s9  }
0x27: {  	s1 =	sld [smem:$0x3FAA]  }
0x28: {  	s2 =	sld [smem:$0x3FAB]  }
0x29: {  	s4 =	sld [smem:$0x3FAD]  }
0x2a: {  	p0 =	seq.s32 s5, $0x0;
	s5 =	sld [smem:$0x3FAE]  }
0x2b: {  	s6 =	sld [smem:$0x3FAF]  }
0x2c: {  	s7 =	sld [smem:$0x3FB0]  }
0x2d: {  	s3 =	simm.s32 $0x108;
	s8 =	sld [smem:$0x3FB1]  }
0x2e: {  	s3 =	simm.s32 @!p0 $0x1082;
	s9 =	sld [smem:$0x3FB2]  }
0x2f: {  	lr =	sadd.s32 s0, s3;
	s0 =	sld [smem:$0x3FA9]  }
0x30: {  	s3 =	sld [smem:$0x3FAC]  }
0x31: {  	[smem:$0x3FB5] =	sst s10  }
0x32: {  	s10 =	sld [smem:$0x3FB3];
	_ =	sdelay $0x3  }
0x33: {  	p0 =	seq.s32 s10, $0x1;
	s10 =	sld [smem:$0x3FB5];
	_ =	sdelay $0x3  }
0x34: {  	[smem:$0x3FB5] =	sst s10  }
0x35: {  	s10 =	sld [smem:$0x3FB4];
	_ =	sdelay $0x3  }
0x36: {  	p1 =	seq.s32 s10, $0x1;
	s10 =	sld [smem:$0x3FB5];
	_ =	sdelay $0x3  }
0x37: {  	[smem:$0x3FB5] =	sst s10  }
0x38: {  	s10 =	sld [smem:$0x3FB6]  }
0x39: {  	_ = 	snop;
	(pc) =	sbr.ind lr, $3  }
0x3a: {  	_ = 	snop  }
0x3b: {  	_ = 	snop  }
0x3c: {  	p2 =	seq.s32 s10, $0x1;
	s10 =	sld [smem:$0x3FB5]  }
0x3d: {  	_ =	shalt  }
0x3e: {  	_ =	shalt  }
0x3f: {  	_ =	shalt  }
0x40: {  	_ =	shalt  }
0x41: {  	_ =	shalt  }
0x42: {  	_ =	shalt  }
0x43: {  	_ =	shalt  }
0x44: {  	_ =	shalt  }
0x45: {  	_ =	shalt  }
0x46: {  	_ =	shalt  }
0x47: {  	_ =	shalt  }
0x48: {  	_ =	shalt  }
0x49: {  	_ =	shalt  }
0x4a: {  	_ =	shalt  }
0x4b: {  	_ =	shalt  }
0x4c: {  	_ =	shalt  }
0x4d: {  	_ =	shalt  }
0x4e: {  	_ =	shalt  }
0x4f: {  	_ =	shalt  }
0x50: {  	_ =	shalt  }
0x51: {  	_ =	shalt  }
0x52: {  	_ =	shalt  }
0x53: {  	_ =	shalt  }
0x54: {  	_ =	shalt  }
0x55: {  	_ =	shalt  }
0x56: {  	_ =	shalt  }
0x57: {  	_ =	shalt  }
0x58: {  	_ =	shalt  }
0x59: {  	_ =	shalt  }
0x5a: {  	_ =	shalt  }
0x5b: {  	_ =	shalt  }
0x5c: {  	_ =	shalt  }
0x5d: {  	_ =	shalt  }
0x5e: {  	_ =	shalt  }
0x5f: {  	_ =	shalt  }
0x60: {  	_ =	shalt  }
0x61: {  	_ =	shalt  }
0x62: {  	_ =	shalt  }
0x63: {  	_ =	shalt  }
0x64: {  	_ =	shalt  }
0x65: {  	_ =	shalt  }
0x66: {  	_ =	shalt  }
0x67: {  	_ =	shalt  }
0x68: {  	_ =	shalt  }
0x69: {  	_ =	shalt  }
0x6a: {  	_ =	shalt  }
0x6b: {  	_ =	shalt  }
0x6c: {  	_ =	shalt  }
0x6d: {  	_ =	shalt  }
0x6e: {  	_ =	shalt  }
0x6f: {  	_ =	shalt  }
0x70: {  	_ =	shalt  }
0x71: {  	_ =	shalt  }
0x72: {  	_ =	shalt  }
0x73: {  	_ =	shalt  }
0x74: {  	_ =	shalt  }
0x75: {  	_ =	shalt  }
0x76: {  	_ =	shalt  }
0x77: {  	_ =	shalt  }
0x78: {  	_ =	shalt  }
0x79: {  	_ =	shalt  }
0x7a: {  	_ =	shalt  }
0x7b: {  	_ =	shalt  }
0x7c: {  	_ =	shalt  }
0x7d: {  	_ =	shalt  }
0x7e: {  	_ =	shalt  }
0x7f: {  	_ =	shalt  }
0x80: {  	_ =	shalt  }
0x81: {  	_ =	shalt  }
0x82: {  	_ =	shalt  }
0x83: {  	_ =	shalt  }
0x84: {  	_ =	shalt  }
0x85: {  	_ =	shalt  }
0x86: {  	_ =	shalt  }
0x87: {  	_ =	shalt  }
.Lfunc_end0:
.L_simem_size_0:
called_computation.1_lowered:
.L_overlay_start_0:
0x88: {  	s2 =	sld [smem:$0x3FD9]  }
0x89: {  	s3 =	sld [smem:$0x3FFE];
	_ =	sdelay $0x1  }
0x8a: {  	s1 =	srdreg.scid  }
0x8b: {  	s0 =	sand.u32 $0x1, s1  }
0x8c: {  	s17 =	sshll.u32 s0, $0xA;
	s2 =	sadd.s32 s3, s2  }
0x8d: {  	s2 =	sadd.s32 s2, s17  }
0x8e: {  	[smem:$0x3FC1] =	sst s2  }
0x8f: {  	_ = 	snop  }
0x90: {  	s2 =	sld [smem:$0x3FD0];
	(tm) =	ssettm $0x1  }
0x91: {  	s18 =	sld [smem:$0x3FFB];
	_ =	sdelay $0x3  }
0x92: {  	_ =	strace s18  }
0x93: {  	s3 =	sld [smem:$0x3FFC];
	_ =	sdelay $0x3  }
0x94: {  	_ =	strace s3  }
0x95: {  	s3 =	sld [smem:$0x3FFD];
	_ =	sdelay $0x3  }
0x96: {  	_ =	strace s3  }
0x97: {  	_ =	strace $0x8FFFFFFF  }
0x98: {  	s19 =	sld [smem:$0x3FDB];
	_ =	sdelay $0x1  }
0x99: {  	s4 =	simm.s32 $_scs_section_size  }
0x9a: {  	s5 =	simm.s32 $_size__tile_overlayer_lowered;
	s6 =	simm.s32 $_tile_overlayer_lowered  }
0x9b: {  	s22 =	simm.s32 $0x1BFF;
	s21 =	sshll.u32 s6, $0x1;
	s3 =	sadd.s32 s4, s19  }
0x9c: {  	s7 =	simm.s32 $0x0;
	s20 =	sshll.u32 s5, $0x1;
	s5 =	sadd.s32 s21, s3  }
0x9d: {  	[timem:s7], [sflag:s22] =	dma.local [hbm:s5], s20  }
0x9e: {  	_ =	swait.ge [sflag:s22], s20  }
0x9f: {  	s4 =	ssub.s32 $0x0, s20;
	[sflag:s22] =	ssyncset.done $0x0  }
0xa0: {  	[sflag:s22] =	ssyncadd.s32 s4;
	_ =	sdelay $0x1  }
0xa1: {  	s23 =	simm.s32 $0x1B8B  }
0xa2: {  	_ =	swait.ge [sflag:s23], $0x1  }
0xa3: {  	[sflag:s23] =	ssyncset.done $0x0  }
0xa4: {  	s25 =	simm.s32 $0x1B8E;
	s24 =	sld [smem:$0x3FFE];
	[sflag:s23] =	ssyncadd.s32 $0xFFFFFFFF  }
0xa5: {  	s26 =	simm.s32 $execute0_lowered;
	[smem:$0x3FD2] =	sst s25  }
0xa6: {  	s5 =	sshll.u32 s26, $0x1;
	_ =	strace $0x80000049;
	[dreg:$0x1] =	wrdreg $0xFFFFFFFF  }
0xa7: {  	s28 =	simm.s32 $_size_execute0_lowered;
	s3 =	sadd.s32 s3, s5;
	[dreg:$0x0] =	wrdreg $0x0  }
0xa8: {  	s5 =	sshll.u32 s28, $0x1;
	[dreg:$0x2] =	wrdreg s3  }
0xa9: {  	[dreg:$0x3] =	wrdreg s5  }
0xaa: {  	[dreg:$0x4] =	wrdreg $0xC0  }
0xab: {  	_ =	task [dreg:s7], $0x5FFFF  }
0xac: {  	[dreg:$0x1] =	wrdreg $0xFFFFFFFF  }
0xad: {  	[dreg:$0x0] =	wrdreg $0x60  }
0xae: {  	[dreg:$0x2] =	wrdreg s24  }
0xaf: {  	[dreg:$0x3] =	wrdreg s2  }
0xb0: {  	[dreg:$0x4] =	wrdreg $0x9  }
0xb1: {  	_ =	task.clear_ibuf [dreg:s7], $0x5FFFF;
	_ =	strace $0x90000049  }
0xb2: {  	s29 =	simm.s32 $0x9;
	_ =	strace $0x8000004B  }
0xb3: {  	_ =	swait.ge [sflag:s29], $0x1  }
0xb4: {  	[sflag:s29] =	ssyncadd.s32 $0xFFFFFFFF  }
0xb5: {  	_ =	strace $0x9000004B  }
0xb6: {  	_ =	sfence  }
0xb7: {  	s30 =	sld [smem:$0x0];
	_ =	sdelay $0x2  }
0xb8: {  	s31 =	sshll.u32 s1, $0xD;
	s1 =	sshrl.u32 s1, $0x2  }
0xb9: {  	s3 =	sand.u32 $0x4000, s31;
	s1 =	sadd.s32 s1, s30  }
0xba: {  	s0 =	sor.u32 s3, s0;
	s1 =	sshll.u32 s1, $0x11  }
0xbb: {  	s0 =	sor.u32 s1, s0  }
0xbc: {  	s0 =	sadd.s32 $0x8F2B, s0  }
0xbd: {  	[sflag:s0] =	ssyncadd.remote.s32 $0x1  }
0xbe: {  	_ =	sfence.sel $0xFFFF  }
0xbf: {  	[dreg:$0x0] =	wrdreg $0xFFFFFFFF;
	(pc) =	sbr.abs _section_cstart, $3  }
0xc0: {  	[dreg:$0x1] =	wrdreg $0xFFFFFFFF  }
0xc1: {  	_ =	task.clear_ibuf [dreg:s7], $0x2FFFF;
	_ =	strace $0x9FFFFFFF  }
0xc2: {  	(tm) =	ssettm $0x7FFFFFFF  }
0xc3: {  	_ =	shalt  }
tec
execute0_lowered:
.L_overlay_start_1:
0x0: {  	(tag) =	ssettag $0x1  }
0x1: {  	s4 =	rddreg [dreg:$0x0]  }
0x2: {  	s8 =	rddreg [dreg:$0x1]  }
0x3: {  	s0 =	rddreg [dreg:$0x2];
	s1 =	stileid.u32  }
0x4: {  	s2 =	simm.s32 $0x0;
	s3 =	srdreg.scid;
	s15 =	simm.s32 $0x1  }
0x5: {  	s16 =	simm.s32 $0x1000;
	s17 =	simm.s32 $0x3E000;
	s5 =	sshll.u32 s1, $0x1  }
0x6: {  	s18 =	simm.s32 $0xC900;
	s3 =	sand.u32 $0x1, s3;
	s5 =	sand.u32 $0xE, s5  }
0x7: {  	s19 =	simm.s32 $0x0;
	[smem:$0x7FF] =	sst s2;
	s5 =	sor.u32 s3, s5  }
0x8: {  	s31 =	sshrl.u32 s1, $0x3;
	s6 =	ssub.s32 $0x2, s3;
	s9 =	smul.u32 $0xBB80, s5  }
0x9: {  	_ =	strace $0x8000004A;
	s7 =	sshrl.u32 s6, $0x1;
	s30 =	smul.u32 $0x1770, s5  }
0xa: {  	s3 =	sadd.s32 $0x4200, s4;
	s14 =	ssub.s32 s6, s7;
	s5 =	smul.u32 $0xF8000, s5  }
0xb: {  	s4 =	sadd.s32 $0x1E600, s4;
	s6 =	smul.u32 $0xF8, s31;
	s14 =	smax.u32 s14, $0x1  }
0xc: {  	s9 =	sshrl.u32 s9, $0x3;
	s7 =	sadd.s32 s8, s30;
	s11 =	sadd.s32 $0x1F00000, s5  }
0xd: {  	s13 =	sadd.s32 $0x2E80000, s5;
	s12 =	sadd.s32 s8, s9;
	s9 =	sadd.s32 $0xF80000, s5  }
0xe: {  	s8 =	sadd.s32 $0x17700, s12;
	s10 =	sadd.s32 $0x2EE00, s12;
	s12 =	sadd.s32 $0x46500, s12  }
.LBB2_1:
0xf: {  	[tilespmem:s2], [sflag:$0x1] =	stream.linear.gather [hbm4b:s7+s2], $0xBB80, $0x38;
	[tilespmem:$0x10900] =	vst v63  }
0x10: {  	_ =	swait.ge [sflag:s15], $0xBB80  }
0x11: {  	[sflag:s15] =	ssyncset.done $0x0  }
0x12: {  	s20 =	simm.s32 $0x0;
	[sflag:s15] =	ssyncadd.s32 $0xFFFF4480  }
.LBB2_2:
0x13: {  	s21 =	sshll.u32 s20, $0x3  }
0x14: {  	s21 =	sadd.s32 s6, s21  }
0x15: {  	s22 =	smul.u32 $0x36, s21;
	_ =	sdelay $0x1  }
0x16: {  	s24 =	simm.s32 $0x0;
	s23 =	sadd.s32 s3, s22;
	s22 =	simm.s32 $0xBB80  }
0x17: {  	[tilespmem:s22], [sflag:$0x1] =	stream.linear.gather [hbm4b:s23+s24], $0xD80, $0x38;
	[tilespmem:$0x10900] =	vst v63  }
0x18: {  	_ =	swait.ge [sflag:s15], $0xD80  }
0x19: {  	[sflag:s15] =	ssyncset.done $0x0  }
0x1a: {  	[sflag:s15] =	ssyncadd.s32 $0xFFFFF280  }
0x1b: {  	v0 =	vld [tilespmem:s22+$0x0];
	_ =	sdelay $0x4  }
0x1c: {  	s31 =	smul.u32 $0x13, s24;
	vm0 =	vgt.s32 v0, $0x0  }
0x1d: {  	v1 =	vnsel vm0, $0x0, v0  }
0x1e: {  	s24 =	sshrl.u32 s31, $0x9  }
0x1f: {  	s24 =	sand.u32 $0x7F, s24  }
0x20: {  	s24 =	smul.u32 $0x1B, s24;
	_ =	sdelay $0x1  }
0x21: {  	s24 =	ssub.s32 $0x0, s24;
	v2 =	vld.idx.msk [tilespmem:v1+s2+$0x0], $0xffff  }
0x22: {  	s25 =	sshll.u32 s24, $0x7  }
0x23: {  	s26 =	sshrl.u32 s31, $0x2;
	s23 =	sand.u32 $0x1000, s31;
	s25 =	sand.u32 $0xC00, s25;
	v3 =	vadd.s32 $0x2EE0, v1  }
0x24: {  	s26 =	sand.u32 $0x380, s26;
	s24 =	sshll.u32 s24, $0x4;
	s23 =	sor.u32 s25, s23  }
0x25: {  	s24 =	sand.u32 $0x70, s24;
	s23 =	sor.u32 s26, s23;
	vm15 =	vgt.s32 v0, $0xFFFFFFFF  }
0x26: {  	s24 =	sor.u32 s24, s23;
	v0 =	vnsel vm15, $0x0, v2  }
0x27: {  	[tilespmem:s24+$0xC900] =	vst v0  }
0x28: {  	v0 =	vld.idx.msk [tilespmem:v3+s2+$0x0], $0xffff;
	_ =	sdelay $0x1  }
0x29: {  	v2 =	vadd.s32 $0x5DC0, v1;
	_ =	sdelay $0x2  }
0x2a: {  	v0 =	vnsel vm15, $0x0, v0  }
0x2b: {  	[tilespmem:s24+$0xD900] =	vst v0  }
0x2c: {  	v0 =	vld.idx.msk [tilespmem:v2+s2+$0x0], $0xffff;
	_ =	sdelay $0x1  }
0x2d: {  	v1 =	vadd.s32 $0x8CA0, v1;
	_ =	sdelay $0x2  }
0x2e: {  	v0 =	vnsel vm15, $0x0, v0  }
0x2f: {  	[tilespmem:s24+$0xE900] =	vst v0  }
0x30: {  	v0 =	vld.idx.msk [tilespmem:v1+s2+$0x0], $0xffff;
	_ =	sdelay $0x4  }
0x31: {  	s23 =	simm.s32 $0x1;
	v0 =	vnsel vm15, $0x0, v0  }
.LBB2_3:
0x32: {  	p0 =	sne.s32 s23, $0xD7  }
0x33: {  	[tilespmem:s24+$0xF900] =	vst v0;
	s22 =	sadd.s32 $0x10, s22;
	s24 =	smov.u32 s23;
	s23 =	sadd.s32 $0x1, s23  }
0x34: {  	v0 =	vld [tilespmem:s22+$0x0];
	_ =	sdelay $0x4  }
0x35: {  	vm0 =	vgt.s32 v0, $0x0  }
0x36: {  	s25 =	smul.u32 $0x13, s24;
	v1 =	vnsel vm0, $0x0, v0;
	_ =	sdelay $0x1  }
0x37: {  	s26 =	sshrl.u32 s25, $0x9;
	s28 =	sshrl.u32 s25, $0x2  }
0x38: {  	s26 =	sand.u32 $0x7F, s26  }
0x39: {  	s26 =	smul.u32 $0x1B, s26  }
0x3a: {  	v2 =	vld.idx.msk [tilespmem:v1+s2+$0x0], $0xffff  }
0x3b: {  	s24 =	ssub.s32 s24, s26  }
0x3c: {  	s26 =	sshll.u32 s24, $0x4;
	s24 =	sshll.u32 s24, $0x7  }
0x3d: {  	s25 =	sand.u32 $0x1000, s25;
	v3 =	vadd.s32 $0x2EE0, v1;
	s24 =	sand.u32 $0xC00, s24  }
0x3e: {  	s28 =	sand.u32 $0x380, s28;
	s24 =	sor.u32 s24, s25  }
0x3f: {  	vm0 =	vgt.s32 v0, $0xFFFFFFFF;
	s25 =	sand.u32 $0x70, s26;
	s24 =	sor.u32 s28, s24  }
0x40: {  	s24 =	sor.u32 s25, s24;
	v0 =	vnsel vm0, $0x0, v2  }
0x41: {  	[tilespmem:s24+$0xC900] =	vst v0  }
0x42: {  	v0 =	vld.idx.msk [tilespmem:v3+s2+$0x0], $0xffff;
	_ =	sdelay $0x2  }
0x43: {  	v2 =	vadd.s32 $0x5DC0, v1;
	_ =	sdelay $0x2  }
0x44: {  	v0 =	vnsel vm0, $0x0, v0  }
0x45: {  	[tilespmem:s24+$0xD900] =	vst v0  }
0x46: {  	v0 =	vld.idx.msk [tilespmem:v2+s2+$0x0], $0xffff;
	_ =	sdelay $0x2  }
0x47: {  	v1 =	vadd.s32 $0x8CA0, v1;
	_ =	sdelay $0x2  }
0x48: {  	v0 =	vnsel vm0, $0x0, v0  }
0x49: {  	[tilespmem:s24+$0xE900] =	vst v0  }
0x4a: {  	v0 =	vld.idx.msk [tilespmem:v1+s2+$0x0], $0xffff;
	_ =	sdelay $0x1  }
.Ltmp0:
0x4b: {  	(pc) =	sbr.rel @p0 .LBB2_3-.Ltmp0, $2  }
0x4c: {  	_ =	sdelay $0x2  }
0x4d: {  	v0 =	vnsel vm0, $0x0, v0  }
0x4e: {  	s21 =	sshll.u32 s21, $0x9  }
0x4f: {  	s20 =	sadd.s32 $0x1, s20;
	s21 =	sadd.s32 s5, s21  }
0x50: {  	p0 =	sne.s32 s20, $0x1F;
	s21 =	sshrl.u32 s21, $0x3  }
.Ltmp1:
0x51: {  	[tilespmem:s24+$0xF900] =	vst v0;
	s21 =	sadd.s32 s4, s21;
	(pc) =	sbr.rel @p0 .LBB2_2-.Ltmp1, $4  }
0x52: {  	[hbm4b:s21+s16] =	stream.strided.scatter [tilespmem:s18], [sflag:$0x1], $0x4000, s17, s16, $0x38;
	[tilespmem:$0x10900] =	vst v63  }
0x53: {  	_ =	swait.ge [sflag:s15], $0x4000  }
0x54: {  	[sflag:s15] =	ssyncset.done $0x0  }
0x55: {  	[sflag:s15] =	ssyncadd.s32 $0xFFFFC000  }
0x56: {  	s20 =	simm.s32 $0x0  }
0x57: {  	[tilespmem:s20], [sflag:$0x1] =	stream.linear.gather [hbm4b:s8+s20], $0xBB80, $0x38;
	[tilespmem:$0x10900] =	vst v63  }
0x58: {  	_ =	swait.ge [sflag:s15], $0xBB80  }
0x59: {  	[sflag:s15] =	ssyncset.done $0x0  }
0x5a: {  	s21 =	simm.s32 $0x0;
	[sflag:s15] =	ssyncadd.s32 $0xFFFF4480  }
.LBB2_6:
0x5b: {  	s22 =	sshll.u32 s21, $0x3  }
0x5c: {  	s22 =	sadd.s32 s6, s22  }
0x5d: {  	s23 =	smul.u32 $0x1B0, s22;
	_ =	sdelay $0x1  }
0x5e: {  	s23 =	sshrl.u32 s23, $0x3  }
0x5f: {  	s23 =	sadd.s32 s3, s23  }
0x60: {  	s24 =	sadd.s32 $0x68A0, s23;
	s23 =	simm.s32 $0xBB80  }
0x61: {  	[tilespmem:s23], [sflag:$0x1] =	stream.linear.gather [hbm4b:s24+s20], $0xD80, $0x38;
	[tilespmem:$0x10900] =	vst v63  }
0x62: {  	_ =	swait.ge [sflag:s15], $0xD80  }
0x63: {  	[sflag:s15] =	ssyncset.done $0x0  }
0x64: {  	[sflag:s15] =	ssyncadd.s32 $0xFFFFF280  }
0x65: {  	v0 =	vld [tilespmem:s23+$0x0];
	_ =	sdelay $0x4  }
0x66: {  	s31 =	smul.u32 $0x13, s20;
	vm0 =	vgt.s32 v0, $0x0  }
0x67: {  	v1 =	vnsel vm0, $0x0, v0  }
0x68: {  	s25 =	sshrl.u32 s31, $0x9  }
0x69: {  	s25 =	sand.u32 $0x7F, s25  }
0x6a: {  	s25 =	smul.u32 $0x1B, s25;
	_ =	sdelay $0x1  }
0x6b: {  	s25 =	ssub.s32 $0x0, s25;
	v2 =	vld.idx.msk [tilespmem:v1+s2+$0x0], $0xffff  }
0x6c: {  	s26 =	sshll.u32 s25, $0x7  }
0x6d: {  	s28 =	sshrl.u32 s31, $0x2;
	s24 =	sand.u32 $0x1000, s31;
	s26 =	sand.u32 $0xC00, s26;
	v3 =	vadd.s32 $0x2EE0, v1  }
0x6e: {  	s28 =	sand.u32 $0x380, s28;
	s25 =	sshll.u32 s25, $0x4;
	s24 =	sor.u32 s26, s24  }
0x6f: {  	s25 =	sand.u32 $0x70, s25;
	s24 =	sor.u32 s28, s24;
	vm15 =	vgt.s32 v0, $0xFFFFFFFF  }
0x70: {  	s25 =	sor.u32 s25, s24;
	v0 =	vnsel vm15, $0x0, v2  }
0x71: {  	[tilespmem:s25+$0xC900] =	vst v0  }
0x72: {  	v0 =	vld.idx.msk [tilespmem:v3+s2+$0x0], $0xffff;
	_ =	sdelay $0x1  }
0x73: {  	v2 =	vadd.s32 $0x5DC0, v1;
	_ =	sdelay $0x2  }
0x74: {  	v0 =	vnsel vm15, $0x0, v0  }
0x75: {  	[tilespmem:s25+$0xD900] =	vst v0  }
0x76: {  	v0 =	vld.idx.msk [tilespmem:v2+s2+$0x0], $0xffff;
	_ =	sdelay $0x1  }
0x77: {  	v1 =	vadd.s32 $0x8CA0, v1;
	_ =	sdelay $0x2  }
0x78: {  	v0 =	vnsel vm15, $0x0, v0  }
0x79: {  	[tilespmem:s25+$0xE900] =	vst v0  }
0x7a: {  	v0 =	vld.idx.msk [tilespmem:v1+s2+$0x0], $0xffff;
	_ =	sdelay $0x4  }
0x7b: {  	s24 =	simm.s32 $0x1;
	v0 =	vnsel vm15, $0x0, v0  }
.LBB2_7:
0x7c: {  	p0 =	sne.s32 s24, $0xD7  }
0x7d: {  	[tilespmem:s25+$0xF900] =	vst v0;
	s23 =	sadd.s32 $0x10, s23;
	s25 =	smov.u32 s24;
	s24 =	sadd.s32 $0x1, s24  }
0x7e: {  	v0 =	vld [tilespmem:s23+$0x0];
	_ =	sdelay $0x4  }
0x7f: {  	vm0 =	vgt.s32 v0, $0x0  }
0x80: {  	s26 =	smul.u32 $0x13, s25;
	v1 =	vnsel vm0, $0x0, v0;
	_ =	sdelay $0x1  }
0x81: {  	s28 =	sshrl.u32 s26, $0x9;
	s29 =	sshrl.u32 s26, $0x2  }
0x82: {  	s28 =	sand.u32 $0x7F, s28  }
0x83: {  	s28 =	smul.u32 $0x1B, s28  }
0x84: {  	v2 =	vld.idx.msk [tilespmem:v1+s2+$0x0], $0xffff  }
0x85: {  	s25 =	ssub.s32 s25, s28  }
0x86: {  	s28 =	sshll.u32 s25, $0x4;
	s25 =	sshll.u32 s25, $0x7  }
0x87: {  	s26 =	sand.u32 $0x1000, s26;
	v3 =	vadd.s32 $0x2EE0, v1;
	s25 =	sand.u32 $0xC00, s25  }
0x88: {  	s29 =	sand.u32 $0x380, s29;
	s25 =	sor.u32 s25, s26  }
0x89: {  	vm0 =	vgt.s32 v0, $0xFFFFFFFF;
	s26 =	sand.u32 $0x70, s28;
	s25 =	sor.u32 s29, s25  }
0x8a: {  	s25 =	sor.u32 s26, s25;
	v0 =	vnsel vm0, $0x0, v2  }
0x8b: {  	[tilespmem:s25+$0xC900] =	vst v0  }
0x8c: {  	v0 =	vld.idx.msk [tilespmem:v3+s2+$0x0], $0xffff;
	_ =	sdelay $0x2  }
0x8d: {  	v2 =	vadd.s32 $0x5DC0, v1;
	_ =	sdelay $0x2  }
0x8e: {  	v0 =	vnsel vm0, $0x0, v0  }
0x8f: {  	[tilespmem:s25+$0xD900] =	vst v0  }
0x90: {  	v0 =	vld.idx.msk [tilespmem:v2+s2+$0x0], $0xffff;
	_ =	sdelay $0x2  }
0x91: {  	v1 =	vadd.s32 $0x8CA0, v1;
	_ =	sdelay $0x2  }
0x92: {  	v0 =	vnsel vm0, $0x0, v0  }
0x93: {  	[tilespmem:s25+$0xE900] =	vst v0  }
0x94: {  	v0 =	vld.idx.msk [tilespmem:v1+s2+$0x0], $0xffff;
	_ =	sdelay $0x1  }
.Ltmp2:
0x95: {  	(pc) =	sbr.rel @p0 .LBB2_7-.Ltmp2, $2  }
0x96: {  	_ =	sdelay $0x2  }
0x97: {  	v0 =	vnsel vm0, $0x0, v0  }
0x98: {  	s22 =	sshll.u32 s22, $0x9  }
0x99: {  	s21 =	sadd.s32 $0x1, s21;
	s22 =	sadd.s32 s22, s9  }
0x9a: {  	p0 =	sne.s32 s21, $0x1F;
	s22 =	sshrl.u32 s22, $0x3  }
.Ltmp3:
0x9b: {  	[tilespmem:s25+$0xF900] =	vst v0;
	s22 =	sadd.s32 s4, s22;
	(pc) =	sbr.rel @p0 .LBB2_6-.Ltmp3, $4  }
0x9c: {  	[hbm4b:s22+s16] =	stream.strided.scatter [tilespmem:s18], [sflag:$0x1], $0x4000, s17, s16, $0x38;
	[tilespmem:$0x10900] =	vst v63  }
0x9d: {  	_ =	swait.ge [sflag:s15], $0x4000  }
0x9e: {  	[sflag:s15] =	ssyncset.done $0x0  }
0x9f: {  	[sflag:s15] =	ssyncadd.s32 $0xFFFFC000  }
0xa0: {  	s20 =	simm.s32 $0x0  }
0xa1: {  	[tilespmem:s20], [sflag:$0x1] =	stream.linear.gather [hbm4b:s10+s20], $0xBB80, $0x38;
	[tilespmem:$0x10900] =	vst v63  }
0xa2: {  	_ =	swait.ge [sflag:s15], $0xBB80  }
0xa3: {  	[sflag:s15] =	ssyncset.done $0x0  }
0xa4: {  	s21 =	simm.s32 $0x0;
	[sflag:s15] =	ssyncadd.s32 $0xFFFF4480  }
.LBB2_10:
0xa5: {  	s22 =	sshll.u32 s21, $0x3  }
0xa6: {  	s22 =	sadd.s32 s6, s22  }
0xa7: {  	s23 =	smul.u32 $0x1B0, s22;
	_ =	sdelay $0x1  }
0xa8: {  	s23 =	sshrl.u32 s23, $0x3  }
0xa9: {  	s23 =	sadd.s32 s3, s23  }
0xaa: {  	s24 =	sadd.s32 $0xD140, s23;
	s23 =	simm.s32 $0xBB80  }
0xab: {  	[tilespmem:s23], [sflag:$0x1] =	stream.linear.gather [hbm4b:s24+s20], $0xD80, $0x38;
	[tilespmem:$0x10900] =	vst v63  }
0xac: {  	_ =	swait.ge [sflag:s15], $0xD80  }
0xad: {  	[sflag:s15] =	ssyncset.done $0x0  }
0xae: {  	[sflag:s15] =	ssyncadd.s32 $0xFFFFF280  }
0xaf: {  	v0 =	vld [tilespmem:s23+$0x0];
	_ =	sdelay $0x4  }
0xb0: {  	s31 =	smul.u32 $0x13, s20;
	vm0 =	vgt.s32 v0, $0x0  }
0xb1: {  	v1 =	vnsel vm0, $0x0, v0  }
0xb2: {  	s25 =	sshrl.u32 s31, $0x9  }
0xb3: {  	s25 =	sand.u32 $0x7F, s25  }
0xb4: {  	s25 =	smul.u32 $0x1B, s25;
	_ =	sdelay $0x1  }
0xb5: {  	s25 =	ssub.s32 $0x0, s25;
	v2 =	vld.idx.msk [tilespmem:v1+s2+$0x0], $0xffff  }
0xb6: {  	s26 =	sshll.u32 s25, $0x7  }
0xb7: {  	s28 =	sshrl.u32 s31, $0x2;
	s24 =	sand.u32 $0x1000, s31;
	s26 =	sand.u32 $0xC00, s26;
	v3 =	vadd.s32 $0x2EE0, v1  }
0xb8: {  	s28 =	sand.u32 $0x380, s28;
	s25 =	sshll.u32 s25, $0x4;
	s24 =	sor.u32 s26, s24  }
0xb9: {  	s25 =	sand.u32 $0x70, s25;
	s24 =	sor.u32 s28, s24;
	vm15 =	vgt.s32 v0, $0xFFFFFFFF  }
0xba: {  	s25 =	sor.u32 s25, s24;
	v0 =	vnsel vm15, $0x0, v2  }
0xbb: {  	[tilespmem:s25+$0xC900] =	vst v0  }
0xbc: {  	v0 =	vld.idx.msk [tilespmem:v3+s2+$0x0], $0xffff;
	_ =	sdelay $0x1  }
0xbd: {  	v2 =	vadd.s32 $0x5DC0, v1;
	_ =	sdelay $0x2  }
0xbe: {  	v0 =	vnsel vm15, $0x0, v0  }
0xbf: {  	[tilespmem:s25+$0xD900] =	vst v0  }
0xc0: {  	v0 =	vld.idx.msk [tilespmem:v2+s2+$0x0], $0xffff;
	_ =	sdelay $0x1  }
0xc1: {  	v1 =	vadd.s32 $0x8CA0, v1;
	_ =	sdelay $0x2  }
0xc2: {  	v0 =	vnsel vm15, $0x0, v0  }
0xc3: {  	[tilespmem:s25+$0xE900] =	vst v0  }
0xc4: {  	v0 =	vld.idx.msk [tilespmem:v1+s2+$0x0], $0xffff;
	_ =	sdelay $0x4  }
0xc5: {  	s24 =	simm.s32 $0x1;
	v0 =	vnsel vm15, $0x0, v0  }
.LBB2_11:
0xc6: {  	p0 =	sne.s32 s24, $0xD7  }
0xc7: {  	[tilespmem:s25+$0xF900] =	vst v0;
	s23 =	sadd.s32 $0x10, s23;
	s25 =	smov.u32 s24;
	s24 =	sadd.s32 $0x1, s24  }
0xc8: {  	v0 =	vld [tilespmem:s23+$0x0];
	_ =	sdelay $0x4  }
0xc9: {  	vm0 =	vgt.s32 v0, $0x0  }
0xca: {  	s26 =	smul.u32 $0x13, s25;
	v1 =	vnsel vm0, $0x0, v0;
	_ =	sdelay $0x1  }
0xcb: {  	s28 =	sshrl.u32 s26, $0x9;
	s29 =	sshrl.u32 s26, $0x2  }
0xcc: {  	s28 =	sand.u32 $0x7F, s28  }
0xcd: {  	s28 =	smul.u32 $0x1B, s28  }
0xce: {  	v2 =	vld.idx.msk [tilespmem:v1+s2+$0x0], $0xffff  }
0xcf: {  	s25 =	ssub.s32 s25, s28  }
0xd0: {  	s28 =	sshll.u32 s25, $0x4;
	s25 =	sshll.u32 s25, $0x7  }
0xd1: {  	s26 =	sand.u32 $0x1000, s26;
	v3 =	vadd.s32 $0x2EE0, v1;
	s25 =	sand.u32 $0xC00, s25  }
0xd2: {  	s29 =	sand.u32 $0x380, s29;
	s25 =	sor.u32 s25, s26  }
0xd3: {  	vm0 =	vgt.s32 v0, $0xFFFFFFFF;
	s26 =	sand.u32 $0x70, s28;
	s25 =	sor.u32 s29, s25  }
0xd4: {  	s25 =	sor.u32 s26, s25;
	v0 =	vnsel vm0, $0x0, v2  }
0xd5: {  	[tilespmem:s25+$0xC900] =	vst v0  }
0xd6: {  	v0 =	vld.idx.msk [tilespmem:v3+s2+$0x0], $0xffff;
	_ =	sdelay $0x2  }
0xd7: {  	v2 =	vadd.s32 $0x5DC0, v1;
	_ =	sdelay $0x2  }
0xd8: {  	v0 =	vnsel vm0, $0x0, v0  }
0xd9: {  	[tilespmem:s25+$0xD900] =	vst v0  }
0xda: {  	v0 =	vld.idx.msk [tilespmem:v2+s2+$0x0], $0xffff;
	_ =	sdelay $0x2  }
0xdb: {  	v1 =	vadd.s32 $0x8CA0, v1;
	_ =	sdelay $0x2  }
0xdc: {  	v0 =	vnsel vm0, $0x0, v0  }
0xdd: {  	[tilespmem:s25+$0xE900] =	vst v0  }
0xde: {  	v0 =	vld.idx.msk [tilespmem:v1+s2+$0x0], $0xffff;
	_ =	sdelay $0x1  }
.Ltmp4:
0xdf: {  	(pc) =	sbr.rel @p0 .LBB2_11-.Ltmp4, $2  }
0xe0: {  	_ =	sdelay $0x2  }
0xe1: {  	v0 =	vnsel vm0, $0x0, v0  }
0xe2: {  	s22 =	sshll.u32 s22, $0x9  }
0xe3: {  	s21 =	sadd.s32 $0x1, s21;
	s22 =	sadd.s32 s22, s11  }
0xe4: {  	p0 =	sne.s32 s21, $0x1F;
	s22 =	sshrl.u32 s22, $0x3  }
.Ltmp5:
0xe5: {  	[tilespmem:s25+$0xF900] =	vst v0;
	s22 =	sadd.s32 s4, s22;
	(pc) =	sbr.rel @p0 .LBB2_10-.Ltmp5, $4  }
0xe6: {  	[hbm4b:s22+s16] =	stream.strided.scatter [tilespmem:s18], [sflag:$0x1], $0x4000, s17, s16, $0x38;
	[tilespmem:$0x10900] =	vst v63  }
0xe7: {  	_ =	swait.ge [sflag:s15], $0x4000  }
0xe8: {  	[sflag:s15] =	ssyncset.done $0x0  }
0xe9: {  	[sflag:s15] =	ssyncadd.s32 $0xFFFFC000  }
0xea: {  	s20 =	simm.s32 $0x0  }
0xeb: {  	[tilespmem:s20], [sflag:$0x1] =	stream.linear.gather [hbm4b:s12+s20], $0xBB80, $0x38;
	[tilespmem:$0x10900] =	vst v63  }
0xec: {  	_ =	swait.ge [sflag:s15], $0xBB80  }
0xed: {  	[sflag:s15] =	ssyncset.done $0x0  }
0xee: {  	s21 =	simm.s32 $0x0;
	[sflag:s15] =	ssyncadd.s32 $0xFFFF4480  }
.LBB2_14:
0xef: {  	s22 =	sshll.u32 s21, $0x3  }
0xf0: {  	s22 =	sadd.s32 s6, s22  }
0xf1: {  	s23 =	smul.u32 $0x1B0, s22;
	_ =	sdelay $0x1  }
0xf2: {  	s23 =	sshrl.u32 s23, $0x3  }
0xf3: {  	s23 =	sadd.s32 s3, s23  }
0xf4: {  	s24 =	sadd.s32 $0x139E0, s23;
	s23 =	simm.s32 $0xBB80  }
0xf5: {  	[tilespmem:s23], [sflag:$0x1] =	stream.linear.gather [hbm4b:s24+s20], $0xD80, $0x38;
	[tilespmem:$0x10900] =	vst v63  }
0xf6: {  	_ =	swait.ge [sflag:s15], $0xD80  }
0xf7: {  	[sflag:s15] =	ssyncset.done $0x0  }
0xf8: {  	[sflag:s15] =	ssyncadd.s32 $0xFFFFF280  }
0xf9: {  	v0 =	vld [tilespmem:s23+$0x0];
	_ =	sdelay $0x4  }
0xfa: {  	s31 =	smul.u32 $0x13, s20;
	vm0 =	vgt.s32 v0, $0x0  }
0xfb: {  	v1 =	vnsel vm0, $0x0, v0  }
0xfc: {  	s25 =	sshrl.u32 s31, $0x9  }
0xfd: {  	s25 =	sand.u32 $0x7F, s25  }
0xfe: {  	s25 =	smul.u32 $0x1B, s25;
	_ =	sdelay $0x1  }
0xff: {  	s25 =	ssub.s32 $0x0, s25;
	v2 =	vld.idx.msk [tilespmem:v1+s2+$0x0], $0xffff  }
0x100: {  	s26 =	sshll.u32 s25, $0x7  }
0x101: {  	s28 =	sshrl.u32 s31, $0x2;
	s24 =	sand.u32 $0x1000, s31;
	s26 =	sand.u32 $0xC00, s26;
	v3 =	vadd.s32 $0x2EE0, v1  }
0x102: {  	s28 =	sand.u32 $0x380, s28;
	s25 =	sshll.u32 s25, $0x4;
	s24 =	sor.u32 s26, s24  }
0x103: {  	s25 =	sand.u32 $0x70, s25;
	s24 =	sor.u32 s28, s24;
	vm15 =	vgt.s32 v0, $0xFFFFFFFF  }
0x104: {  	s25 =	sor.u32 s25, s24;
	v0 =	vnsel vm15, $0x0, v2  }
0x105: {  	[tilespmem:s25+$0xC900] =	vst v0  }
0x106: {  	v0 =	vld.idx.msk [tilespmem:v3+s2+$0x0], $0xffff;
	_ =	sdelay $0x1  }
0x107: {  	v2 =	vadd.s32 $0x5DC0, v1;
	_ =	sdelay $0x2  }
0x108: {  	v0 =	vnsel vm15, $0x0, v0  }
0x109: {  	[tilespmem:s25+$0xD900] =	vst v0  }
0x10a: {  	v0 =	vld.idx.msk [tilespmem:v2+s2+$0x0], $0xffff;
	_ =	sdelay $0x1  }
0x10b: {  	v1 =	vadd.s32 $0x8CA0, v1;
	_ =	sdelay $0x2  }
0x10c: {  	v0 =	vnsel vm15, $0x0, v0  }
0x10d: {  	[tilespmem:s25+$0xE900] =	vst v0  }
0x10e: {  	v0 =	vld.idx.msk [tilespmem:v1+s2+$0x0], $0xffff;
	_ =	sdelay $0x4  }
0x10f: {  	s24 =	simm.s32 $0x1;
	v0 =	vnsel vm15, $0x0, v0  }
.LBB2_15:
0x110: {  	p0 =	sne.s32 s24, $0xD7  }
0x111: {  	[tilespmem:s25+$0xF900] =	vst v0;
	s23 =	sadd.s32 $0x10, s23;
	s25 =	smov.u32 s24;
	s24 =	sadd.s32 $0x1, s24  }
0x112: {  	v0 =	vld [tilespmem:s23+$0x0];
	_ =	sdelay $0x4  }
0x113: {  	vm0 =	vgt.s32 v0, $0x0  }
0x114: {  	s26 =	smul.u32 $0x13, s25;
	v1 =	vnsel vm0, $0x0, v0;
	_ =	sdelay $0x1  }
0x115: {  	s28 =	sshrl.u32 s26, $0x9;
	s29 =	sshrl.u32 s26, $0x2  }
0x116: {  	s28 =	sand.u32 $0x7F, s28  }
0x117: {  	s28 =	smul.u32 $0x1B, s28  }
0x118: {  	v2 =	vld.idx.msk [tilespmem:v1+s2+$0x0], $0xffff  }
0x119: {  	s25 =	ssub.s32 s25, s28  }
0x11a: {  	s28 =	sshll.u32 s25, $0x4;
	s25 =	sshll.u32 s25, $0x7  }
0x11b: {  	s26 =	sand.u32 $0x1000, s26;
	v3 =	vadd.s32 $0x2EE0, v1;
	s25 =	sand.u32 $0xC00, s25  }
0x11c: {  	s29 =	sand.u32 $0x380, s29;
	s25 =	sor.u32 s25, s26  }
0x11d: {  	vm0 =	vgt.s32 v0, $0xFFFFFFFF;
	s26 =	sand.u32 $0x70, s28;
	s25 =	sor.u32 s29, s25  }
0x11e: {  	s25 =	sor.u32 s26, s25;
	v0 =	vnsel vm0, $0x0, v2  }
0x11f: {  	[tilespmem:s25+$0xC900] =	vst v0  }
0x120: {  	v0 =	vld.idx.msk [tilespmem:v3+s2+$0x0], $0xffff;
	_ =	sdelay $0x2  }
0x121: {  	v2 =	vadd.s32 $0x5DC0, v1;
	_ =	sdelay $0x2  }
0x122: {  	v0 =	vnsel vm0, $0x0, v0  }
0x123: {  	[tilespmem:s25+$0xD900] =	vst v0  }
0x124: {  	v0 =	vld.idx.msk [tilespmem:v2+s2+$0x0], $0xffff;
	_ =	sdelay $0x2  }
0x125: {  	v1 =	vadd.s32 $0x8CA0, v1;
	_ =	sdelay $0x2  }
0x126: {  	v0 =	vnsel vm0, $0x0, v0  }
0x127: {  	[tilespmem:s25+$0xE900] =	vst v0  }
0x128: {  	v0 =	vld.idx.msk [tilespmem:v1+s2+$0x0], $0xffff;
	_ =	sdelay $0x1  }
.Ltmp6:
0x129: {  	(pc) =	sbr.rel @p0 .LBB2_15-.Ltmp6, $2  }
0x12a: {  	_ =	sdelay $0x2  }
0x12b: {  	v0 =	vnsel vm0, $0x0, v0  }
0x12c: {  	s22 =	sshll.u32 s22, $0x9  }
0x12d: {  	s21 =	sadd.s32 $0x1, s21;
	s22 =	sadd.s32 s22, s13  }
0x12e: {  	p0 =	sne.s32 s21, $0x1F;
	s22 =	sshrl.u32 s22, $0x3  }
.Ltmp7:
0x12f: {  	[tilespmem:s25+$0xF900] =	vst v0;
	s22 =	sadd.s32 s4, s22;
	(pc) =	sbr.rel @p0 .LBB2_14-.Ltmp7, $4  }
0x130: {  	[hbm4b:s22+s16] =	stream.strided.scatter [tilespmem:s18], [sflag:$0x1], $0x4000, s17, s16, $0x38;
	[tilespmem:$0x10900] =	vst v63  }
0x131: {  	_ =	swait.ge [sflag:s15], $0x4000  }
0x132: {  	[sflag:s15] =	ssyncset.done $0x0  }
0x133: {  	[sflag:s15] =	ssyncadd.s32 $0xFFFFC000  }
0x134: {  	s19 =	sadd.s32 $0x1, s19  }
0x135: {  	p0 =	sne.s32 s19, s14  }
.Ltmp8:
0x136: {  	_ = 	snop;
	(pc) =	sbr.rel @p0 .LBB2_1-.Ltmp8, $1  }
0x137: {  	_ =	sdelay $0x3  }
0x138: {  	_ =	sfence.sel $0x180000  }
0x139: {  	[bflag:$0x0] =	sbarrier.arrive $0xFFFF  }
0x13a: {  	p0 =	sne.s32 s1, $0x0;
	_ =	strace $0x9000004A  }
0x13b: {  	s0 =	sadd.s32 @!p0 $0x100000, s0;
	[bflag:$0x2] =	sbarrier.arrive $0xFFFF  }
0x13c: {  	[sflag:s0] =	ssyncadd.tile.s32 @!p0 $0x1;
	_ =	shalt  }
.Lfunc_end2:
_tile_overlayer_lowered:
.L_overlay_start_2:
0x13d: {  	(tag) =	ssettag $0x2  }
0x13e: {  	s0 =	rddreg [dreg:$0x0];
	s2 =	stileid.u32  }
0x13f: {  	s1 =	rddreg [dreg:$0x1];
	p0 =	sne.s32 s2, $0x0  }
0x140: {  	s3 =	rddreg [dreg:$0x2];
	[bflag:$0x3] =	sbarrier.arrive $0xFFFF;
	s2 =	simm.s32 @!p0 $0x1C01  }
0x141: {  	[timem:s3], [sflag:s2] =	dma.local @!p0 [hbm:s0], s1  }
0x142: {  	s0 =	simm.s32 @!p0 $0x1  }
0x143: {  	_ =	swait.ge @!p0 [sflag:s0], s1  }
0x144: {  	s1 =	ssub.s32 @!p0 $0x0, s1;
	[sflag:s0] =	ssyncset.done @!p0 $0x0  }
0x145: {  	[sflag:s0] =	ssyncadd.s32 @!p0 s1  }
0x146: {  	[bflag:$0x3] =	sbarrier.arrive $0xFFFF  }
0x147: {  	_ =	shalt  }

</sc_bundles>
